<compile_context>
chip_gen: v7x
topology: tpu7x:2x2x1
jax: 0.10.2.dev20260603
libtpu: 0.0.44.dev20260713+nightly
codegen_flags: <defaults>
</compile_context>

<pallas_src>
import jax
import jax.numpy as jnp
from jax import lax
from jax.experimental import pallas as pl
from jax.experimental.pallas import tpu as pltpu
from jax.experimental.pallas import tpu_sc as plsc

BATCH = 16384
DIM = 128
NC = 2
NS = 16
NW = NC * NS
B_PER_W = BATCH // NW
CHUNK = 64
NCHUNK = B_PER_W // CHUNK
LANES = 16
GROUPS = CHUNK // LANES
COL_BLK = 16


def _sc_body(user_id, item_id, user_table, item_table, out,
             idx_u, idx_i, rows_u, rows_i, out_v,
             sem_u0, sem_u1, sem_i0, sem_i1):
    wid = lax.axis_index("s") * NC + lax.axis_index("c")
    base = wid * B_PER_W
    lane = lax.iota(jnp.int32, 16)

    cp_u = pltpu.async_copy(user_id.at[pl.ds(base, B_PER_W)], idx_u, sem_u0)
    cp_i = pltpu.async_copy(item_id.at[pl.ds(base, B_PER_W)], idx_i, sem_i0)
    cp_u.wait()
    cp_i.wait()

    def gathers(cc, b):
        sem_u = sem_u0 if b == 0 else sem_u1
        sem_i = sem_i0 if b == 0 else sem_i1
        return (pltpu.make_async_copy(
                    user_table.at[idx_u.at[pl.ds(cc * CHUNK, CHUNK)]],
                    rows_u.at[pl.ds(b * CHUNK, CHUNK)], sem_u),
                pltpu.make_async_copy(
                    item_table.at[idx_i.at[pl.ds(cc * CHUNK, CHUNK)]],
                    rows_i.at[pl.ds(b * CHUNK, CHUNK)], sem_i))

    def start(cc, b):
        gu, gi = gathers(cc, b)
        gu.start()
        gi.start()

    def wait(cc, b):
        gu, gi = gathers(cc, b)
        gu.wait()
        gi.wait()

    start(0, 0)
    start(1, 1)

    def chunk_body(cc, _):
        par = lax.rem(cc, 2)
        rowbase = par * CHUNK

        @pl.when(par == 0)
        def _():
            wait(cc, 0)

        @pl.when(par == 1)
        def _():
            wait(cc, 1)

        @plsc.parallel_loop(0, GROUPS, 1)
        def _(g):
            rowv = rowbase + g * LANES + lane

            def col_body(cb, acc):
                cbase = cb * COL_BLK + lane
                for t in range(COL_BLK):
                    colv = (cbase + t) & (DIM - 1)
                    u = plsc.load_gather(rows_u, [rowv, colv])
                    v = plsc.load_gather(rows_i, [rowv, colv])
                    acc = acc + u * v
                return acc

            acc = lax.fori_loop(0, DIM // COL_BLK, col_body,
                                jnp.zeros((16,), jnp.float32))
            out_v[pl.ds(cc * CHUNK + g * LANES, 16)] = acc

        @pl.when((par == 0) & (cc + 2 < NCHUNK))
        def _():
            start(cc + 2, 0)

        @pl.when((par == 1) & (cc + 2 < NCHUNK))
        def _():
            start(cc + 2, 1)

        return 0

    lax.fori_loop(0, NCHUNK, chunk_body, 0)

    pltpu.sync_copy(out_v, out.at[pl.ds(base, B_PER_W)])


@jax.jit
def kernel(user_id, item_id, user_table, item_table):
    mesh = plsc.VectorSubcoreMesh(
        core_axis_name="c", subcore_axis_name="s",
        num_cores=NC, num_subcores=NS)
    run = pl.kernel(
        _sc_body,
        out_type=jax.ShapeDtypeStruct((BATCH,), jnp.float32),
        mesh=mesh,
        compiler_params=pltpu.CompilerParams(needs_layout_passes=False),
        scratch_types=[
            pltpu.VMEM((B_PER_W,), jnp.int32),
            pltpu.VMEM((B_PER_W,), jnp.int32),
            pltpu.VMEM((2 * CHUNK, DIM), jnp.float32),
            pltpu.VMEM((2 * CHUNK, DIM), jnp.float32),
            pltpu.VMEM((B_PER_W,), jnp.float32),
            pltpu.SemaphoreType.DMA,
            pltpu.SemaphoreType.DMA,
            pltpu.SemaphoreType.DMA,
            pltpu.SemaphoreType.DMA,
        ],
    )
    return run(user_id, item_id, user_table, item_table)

# --- scband reference (transcript-rebuilt; emitter-appended) ---
"""Pipeline reference for scband-matrix-factorization-model-21775484191023 (READ-ONLY COPY).

The authoritative reference and input builder live on the scoring server;
editing this copy changes nothing except your own understanding.
"""

import jax, jax.numpy as jnp
import numpy as np

NUM_USERS = 100000
NUM_ITEMS = 1000000
EMBED_DIM = 128
BATCH = 16384

def setup_inputs(seed: int = 0) -> dict:
    key = jax.random.key(seed)
    k_u, k_i, k_ut, k_it = jax.random.split(key, 4)
    user_id = jax.random.randint(k_u, (BATCH,), 0, NUM_USERS, dtype=jnp.int64 if jax.config.jax_enable_x64 else jnp.int32)
    item_id = jax.random.randint(k_i, (BATCH,), 0, NUM_ITEMS, dtype=jnp.int64 if jax.config.jax_enable_x64 else jnp.int32)
    user_table = jax.random.uniform(k_ut, (NUM_USERS, EMBED_DIM), minval=-0.05, maxval=0.05, dtype=jnp.float32)
    item_table = jax.random.uniform(k_it, (NUM_ITEMS, EMBED_DIM), minval=-0.05, maxval=0.05, dtype=jnp.float32)
    return {"user_id": user_id, "item_id": item_id, "user_table": user_table, "item_table": item_table}

def reference(user_id, item_id, user_table, item_table):
    user_vectors = jnp.take(user_table, user_id, axis=0)
    item_vectors = jnp.take(item_table, item_id, axis=0)
    output = jnp.sum(user_vectors * item_vectors, axis=1)
    return output

if __name__ == "__main__":
    import jax
    _d = setup_inputs()
    print(jax.jit(kernel)(*tuple(_d.values())))

</pallas_src>

<mosaic_0001>
#map = affine_map<(d0, d1) -> (0)>
#map1 = affine_map<(d0, d1) -> (0, 0)>
module attributes {stable_mosaic.version = 14 : i64} {
  func.func @_sc_body(%arg0: i32, %arg1: i32, %arg2: memref<16384xi32, #tpu.memory_space<hbm>>, %arg3: memref<16384xi32, #tpu.memory_space<hbm>>, %arg4: memref<100000x128xf32, #tpu.memory_space<hbm>>, %arg5: memref<1000000x128xf32, #tpu.memory_space<hbm>>, %arg6: memref<16384xf32, #tpu.memory_space<hbm>>, %arg7: memref<512xi32, #tpu.memory_space<vmem>>, %arg8: memref<512xi32, #tpu.memory_space<vmem>>, %arg9: memref<128x128xf32, #tpu.memory_space<vmem>>, %arg10: memref<128x128xf32, #tpu.memory_space<vmem>>, %arg11: memref<512xf32, #tpu.memory_space<vmem>>, %arg12: memref<!tpu.dma_semaphore, #tpu.memory_space<semaphore_mem>>, %arg13: memref<!tpu.dma_semaphore, #tpu.memory_space<semaphore_mem>>, %arg14: memref<!tpu.dma_semaphore, #tpu.memory_space<semaphore_mem>>, %arg15: memref<!tpu.dma_semaphore, #tpu.memory_space<semaphore_mem>>) attributes {dimension_semantics = [#tpu.dimension_semantics<core_parallel>, #tpu.dimension_semantics<subcore_parallel>], iteration_bounds = array<i64: 2, 16>, scalar_prefetch = 0 : i64, scratch_operands = 9 : i64, tpu.core_type = #tpu.core_type<sc_vector_subcore>, window_params = [{transform_indices = #map}, {transform_indices = #map}, {transform_indices = #map1}, {transform_indices = #map1}, {transform_indices = #map}]} {
    %mul3A = arith.constant 2 : i32
    %mul3A_0 = arith.muli %arg1, %mul3A : i32
    %add3A = arith.addi %mul3A_0, %arg0 : i32
    %mul3A_1 = arith.constant 512 : i32
    %mul3A_2 = arith.muli %add3A, %mul3A_1 : i32
    %iota3A = tpu.iota {dimensions = array<i32: 0>} : vector<16xi32>
    %dma_start3A = tpu.memref_slice %arg2[%mul3A_2] : memref<16384xi32, #tpu.memory_space<hbm>> -> memref<512xi32, #tpu.memory_space<hbm>>
    %dma_start3A_3 = tpu.memref_slice %arg2[%mul3A_2] : memref<16384xi32, #tpu.memory_space<hbm>> -> memref<512xi32, #tpu.memory_space<hbm>>
    tpu.enqueue_dma source(%dma_start3A_3 : memref<512xi32, #tpu.memory_space<hbm>>) target(%arg7 : memref<512xi32, #tpu.memory_space<vmem>>) target_semaphore(%arg12 : memref<!tpu.dma_semaphore, #tpu.memory_space<semaphore_mem>>)
    %dma_start3A_4 = tpu.memref_slice %arg3[%mul3A_2] : memref<16384xi32, #tpu.memory_space<hbm>> -> memref<512xi32, #tpu.memory_space<hbm>>
    %dma_start3A_5 = tpu.memref_slice %arg3[%mul3A_2] : memref<16384xi32, #tpu.memory_space<hbm>> -> memref<512xi32, #tpu.memory_space<hbm>>
    tpu.enqueue_dma source(%dma_start3A_5 : memref<512xi32, #tpu.memory_space<hbm>>) target(%arg8 : memref<512xi32, #tpu.memory_space<vmem>>) target_semaphore(%arg14 : memref<!tpu.dma_semaphore, #tpu.memory_space<semaphore_mem>>)
    %dma_wait3A = tpu.memref_slice %arg2[%mul3A_2] : memref<16384xi32, #tpu.memory_space<hbm>> -> memref<512xi32, #tpu.memory_space<hbm>>
    %dma_wait3A_6 = tpu.memref_slice %arg2[%mul3A_2] : memref<16384xi32, #tpu.memory_space<hbm>> -> memref<512xi32, #tpu.memory_space<hbm>>
    tpu.wait_dma2 semaphore(%arg12 : memref<!tpu.dma_semaphore, #tpu.memory_space<semaphore_mem>>) src(%dma_wait3A_6 : memref<512xi32, #tpu.memory_space<hbm>>) dst(%arg7 : memref<512xi32, #tpu.memory_space<vmem>>)
    %dma_wait3A_7 = tpu.memref_slice %arg3[%mul3A_2] : memref<16384xi32, #tpu.memory_space<hbm>> -> memref<512xi32, #tpu.memory_space<hbm>>
    %dma_wait3A_8 = tpu.memref_slice %arg3[%mul3A_2] : memref<16384xi32, #tpu.memory_space<hbm>> -> memref<512xi32, #tpu.memory_space<hbm>>
    tpu.wait_dma2 semaphore(%arg14 : memref<!tpu.dma_semaphore, #tpu.memory_space<semaphore_mem>>) src(%dma_wait3A_8 : memref<512xi32, #tpu.memory_space<hbm>>) dst(%arg8 : memref<512xi32, #tpu.memory_space<vmem>>)
    %dma_start3A_9 = arith.constant 0 : i32
    %dma_start3A_10 = arith.constant 0 : i32
    %dma_start3A_11 = tpu.memref_slice %arg9[%dma_start3A_9, %dma_start3A_10] : memref<128x128xf32, #tpu.memory_space<vmem>> -> memref<64x128xf32, #tpu.memory_space<vmem>>
    %dma_start3A_12 = arith.constant 0 : i32
    %dma_start3A_13 = tpu.memref_slice %arg7[%dma_start3A_12] : memref<512xi32, #tpu.memory_space<vmem>> -> memref<64xi32, #tpu.memory_space<vmem>>
    %dma_start3A_14 = arith.constant 0 : i32
    %dma_start3A_15 = arith.constant 0 : i32
    %dma_start3A_16 = tpu.memref_slice %arg4[%dma_start3A_14, %dma_start3A_15] : memref<100000x128xf32, #tpu.memory_space<hbm>> -> memref<100000x128xf32, #tpu.memory_space<hbm>>
    tpu.enqueue_indirect_dma source(%dma_start3A_16 : memref<100000x128xf32, #tpu.memory_space<hbm>>) target(%dma_start3A_11 : memref<64x128xf32, #tpu.memory_space<vmem>>) offsets(%dma_start3A_13 : memref<64xi32, #tpu.memory_space<vmem>>) semaphore(%arg12 : memref<!tpu.dma_semaphore, #tpu.memory_space<semaphore_mem>>)
    %dma_start3A_17 = arith.constant 0 : i32
    %dma_start3A_18 = arith.constant 0 : i32
    %dma_start3A_19 = tpu.memref_slice %arg10[%dma_start3A_17, %dma_start3A_18] : memref<128x128xf32, #tpu.memory_space<vmem>> -> memref<64x128xf32, #tpu.memory_space<vmem>>
    %dma_start3A_20 = arith.constant 0 : i32
    %dma_start3A_21 = tpu.memref_slice %arg8[%dma_start3A_20] : memref<512xi32, #tpu.memory_space<vmem>> -> memref<64xi32, #tpu.memory_space<vmem>>
    %dma_start3A_22 = arith.constant 0 : i32
    %dma_start3A_23 = arith.constant 0 : i32
    %dma_start3A_24 = tpu.memref_slice %arg5[%dma_start3A_22, %dma_start3A_23] : memref<1000000x128xf32, #tpu.memory_space<hbm>> -> memref<1000000x128xf32, #tpu.memory_space<hbm>>
    tpu.enqueue_indirect_dma source(%dma_start3A_24 : memref<1000000x128xf32, #tpu.memory_space<hbm>>) target(%dma_start3A_19 : memref<64x128xf32, #tpu.memory_space<vmem>>) offsets(%dma_start3A_21 : memref<64xi32, #tpu.memory_space<vmem>>) semaphore(%arg14 : memref<!tpu.dma_semaphore, #tpu.memory_space<semaphore_mem>>)
    %dma_start3A_25 = arith.constant 64 : i32
    %dma_start3A_26 = arith.constant 0 : i32
    %dma_start3A_27 = tpu.memref_slice %arg9[%dma_start3A_25, %dma_start3A_26] : memref<128x128xf32, #tpu.memory_space<vmem>> -> memref<64x128xf32, #tpu.memory_space<vmem>>
    %dma_start3A_28 = arith.constant 64 : i32
    %dma_start3A_29 = tpu.memref_slice %arg7[%dma_start3A_28] : memref<512xi32, #tpu.memory_space<vmem>> -> memref<64xi32, #tpu.memory_space<vmem>>
    %dma_start3A_30 = arith.constant 0 : i32
    %dma_start3A_31 = arith.constant 0 : i32
    %dma_start3A_32 = tpu.memref_slice %arg4[%dma_start3A_30, %dma_start3A_31] : memref<100000x128xf32, #tpu.memory_space<hbm>> -> memref<100000x128xf32, #tpu.memory_space<hbm>>
    tpu.enqueue_indirect_dma source(%dma_start3A_32 : memref<100000x128xf32, #tpu.memory_space<hbm>>) target(%dma_start3A_27 : memref<64x128xf32, #tpu.memory_space<vmem>>) offsets(%dma_start3A_29 : memref<64xi32, #tpu.memory_space<vmem>>) semaphore(%arg13 : memref<!tpu.dma_semaphore, #tpu.memory_space<semaphore_mem>>)
    %dma_start3A_33 = arith.constant 64 : i32
    %dma_start3A_34 = arith.constant 0 : i32
    %dma_start3A_35 = tpu.memref_slice %arg10[%dma_start3A_33, %dma_start3A_34] : memref<128x128xf32, #tpu.memory_space<vmem>> -> memref<64x128xf32, #tpu.memory_space<vmem>>
    %dma_start3A_36 = arith.constant 64 : i32
    %dma_start3A_37 = tpu.memref_slice %arg8[%dma_start3A_36] : memref<512xi32, #tpu.memory_space<vmem>> -> memref<64xi32, #tpu.memory_space<vmem>>
    %dma_start3A_38 = arith.constant 0 : i32
    %dma_start3A_39 = arith.constant 0 : i32
    %dma_start3A_40 = tpu.memref_slice %arg5[%dma_start3A_38, %dma_start3A_39] : memref<1000000x128xf32, #tpu.memory_space<hbm>> -> memref<1000000x128xf32, #tpu.memory_space<hbm>>
    tpu.enqueue_indirect_dma source(%dma_start3A_40 : memref<1000000x128xf32, #tpu.memory_space<hbm>>) target(%dma_start3A_35 : memref<64x128xf32, #tpu.memory_space<vmem>>) offsets(%dma_start3A_37 : memref<64xi32, #tpu.memory_space<vmem>>) semaphore(%arg15 : memref<!tpu.dma_semaphore, #tpu.memory_space<semaphore_mem>>)
    %scan3A = arith.constant 0 : i32
    %scan3A_41 = arith.constant 0 : i32
    %scan3A_42 = arith.constant 8 : i32
    %scan3A_43 = arith.addi %scan3A_41, %scan3A_42 : i32
    %scan3A_44 = arith.constant 1 : i32
    %scan3A_45 = scf.for %scan3A_47 = %scan3A_41 to %scan3A_43 step %scan3A_44 iter_args(%scan3A_48 = %scan3A) -> (i32)  : i32 {
      %rem3A = arith.constant 2 : i32
      %rem3A_49 = arith.remsi %scan3A_47, %rem3A : i32
      %mul3A_50 = arith.constant 64 : i32
      %mul3A_51 = arith.muli %rem3A_49, %mul3A_50 : i32
      %eq3A = arith.constant 0 : i32
      %eq3A_52 = arith.cmpi eq, %rem3A_49, %eq3A : i32
      %convert_element_type3A = arith.extui %eq3A_52 : i1 to i32
      %cond3A = arith.constant 0 : i32
      %cond3A_53 = arith.cmpi ne, %convert_element_type3A, %cond3A : i32
      scf.if %cond3A_53 {
        %mul3A_80 = arith.constant 64 : i32
        %mul3A_81 = arith.muli %scan3A_47, %mul3A_80 : i32
        %mul3A_82 = arith.constant 64 : i32
        %mul3A_83 = arith.muli %scan3A_47, %mul3A_82 : i32
        %dma_wait3A_84 = arith.constant 0 : i32
        %dma_wait3A_85 = arith.constant 0 : i32
        %dma_wait3A_86 = tpu.memref_slice %arg9[%dma_wait3A_84, %dma_wait3A_85] : memref<128x128xf32, #tpu.memory_space<vmem>> -> memref<64x128xf32, #tpu.memory_space<vmem>>
        %dma_wait3A_87 = tpu.memref_slice %arg7[%mul3A_81] : memref<512xi32, #tpu.memory_space<vmem>> -> memref<64xi32, #tpu.memory_space<vmem>>
        %dma_wait3A_88 = arith.constant 0 : i32
        %dma_wait3A_89 = arith.constant 0 : i32
        %dma_wait3A_90 = tpu.memref_slice %arg4[%dma_wait3A_88, %dma_wait3A_89] : memref<100000x128xf32, #tpu.memory_space<hbm>> -> memref<100000x128xf32, #tpu.memory_space<hbm>>
        tpu.wait_indirect_dma semaphore(%arg12 : memref<!tpu.dma_semaphore, #tpu.memory_space<semaphore_mem>>) src(%dma_wait3A_90 : memref<100000x128xf32, #tpu.memory_space<hbm>>) dst(%dma_wait3A_86 : memref<64x128xf32, #tpu.memory_space<vmem>>)
        %dma_wait3A_91 = arith.constant 0 : i32
        %dma_wait3A_92 = arith.constant 0 : i32
        %dma_wait3A_93 = tpu.memref_slice %arg10[%dma_wait3A_91, %dma_wait3A_92] : memref<128x128xf32, #tpu.memory_space<vmem>> -> memref<64x128xf32, #tpu.memory_space<vmem>>
        %dma_wait3A_94 = tpu.memref_slice %arg8[%mul3A_83] : memref<512xi32, #tpu.memory_space<vmem>> -> memref<64xi32, #tpu.memory_space<vmem>>
        %dma_wait3A_95 = arith.constant 0 : i32
        %dma_wait3A_96 = arith.constant 0 : i32
        %dma_wait3A_97 = tpu.memref_slice %arg5[%dma_wait3A_95, %dma_wait3A_96] : memref<1000000x128xf32, #tpu.memory_space<hbm>> -> memref<1000000x128xf32, #tpu.memory_space<hbm>>
        tpu.wait_indirect_dma semaphore(%arg14 : memref<!tpu.dma_semaphore, #tpu.memory_space<semaphore_mem>>) src(%dma_wait3A_97 : memref<1000000x128xf32, #tpu.memory_space<hbm>>) dst(%dma_wait3A_93 : memref<64x128xf32, #tpu.memory_space<vmem>>)
      } else {
      }
      %eq3A_54 = arith.constant 1 : i32
      %eq3A_55 = arith.cmpi eq, %rem3A_49, %eq3A_54 : i32
      %convert_element_type3A_56 = arith.extui %eq3A_55 : i1 to i32
      %cond3A_57 = arith.constant 0 : i32
      %cond3A_58 = arith.cmpi ne, %convert_element_type3A_56, %cond3A_57 : i32
      scf.if %cond3A_58 {
        %mul3A_80 = arith.constant 64 : i32
        %mul3A_81 = arith.muli %scan3A_47, %mul3A_80 : i32
        %mul3A_82 = arith.constant 64 : i32
        %mul3A_83 = arith.muli %scan3A_47, %mul3A_82 : i32
        %dma_wait3A_84 = arith.constant 64 : i32
        %dma_wait3A_85 = arith.constant 0 : i32
        %dma_wait3A_86 = tpu.memref_slice %arg9[%dma_wait3A_84, %dma_wait3A_85] : memref<128x128xf32, #tpu.memory_space<vmem>> -> memref<64x128xf32, #tpu.memory_space<vmem>>
        %dma_wait3A_87 = tpu.memref_slice %arg7[%mul3A_81] : memref<512xi32, #tpu.memory_space<vmem>> -> memref<64xi32, #tpu.memory_space<vmem>>
        %dma_wait3A_88 = arith.constant 0 : i32
        %dma_wait3A_89 = arith.constant 0 : i32
        %dma_wait3A_90 = tpu.memref_slice %arg4[%dma_wait3A_88, %dma_wait3A_89] : memref<100000x128xf32, #tpu.memory_space<hbm>> -> memref<100000x128xf32, #tpu.memory_space<hbm>>
        tpu.wait_indirect_dma semaphore(%arg13 : memref<!tpu.dma_semaphore, #tpu.memory_space<semaphore_mem>>) src(%dma_wait3A_90 : memref<100000x128xf32, #tpu.memory_space<hbm>>) dst(%dma_wait3A_86 : memref<64x128xf32, #tpu.memory_space<vmem>>)
        %dma_wait3A_91 = arith.constant 64 : i32
        %dma_wait3A_92 = arith.constant 0 : i32
        %dma_wait3A_93 = tpu.memref_slice %arg10[%dma_wait3A_91, %dma_wait3A_92] : memref<128x128xf32, #tpu.memory_space<vmem>> -> memref<64x128xf32, #tpu.memory_space<vmem>>
        %dma_wait3A_94 = tpu.memref_slice %arg8[%mul3A_83] : memref<512xi32, #tpu.memory_space<vmem>> -> memref<64xi32, #tpu.memory_space<vmem>>
        %dma_wait3A_95 = arith.constant 0 : i32
        %dma_wait3A_96 = arith.constant 0 : i32
        %dma_wait3A_97 = tpu.memref_slice %arg5[%dma_wait3A_95, %dma_wait3A_96] : memref<1000000x128xf32, #tpu.memory_space<hbm>> -> memref<1000000x128xf32, #tpu.memory_space<hbm>>
        tpu.wait_indirect_dma semaphore(%arg15 : memref<!tpu.dma_semaphore, #tpu.memory_space<semaphore_mem>>) src(%dma_wait3A_97 : memref<1000000x128xf32, #tpu.memory_space<hbm>>) dst(%dma_wait3A_93 : memref<64x128xf32, #tpu.memory_space<vmem>>)
      } else {
      }
      %parallel_loop3A = arith.constant 0 : i32
      %parallel_loop3A_59 = arith.constant 4 : i32
      %parallel_loop3A_60 = arith.constant 1 : i32
      scf.for %parallel_loop3A_80 = %parallel_loop3A to %parallel_loop3A_59 step %parallel_loop3A_60  : i32 {
        %parallel_loop3A_81 = arith.constant 16 : i32
        %parallel_loop3A_82 = arith.muli %parallel_loop3A_80, %parallel_loop3A_81 : i32
        %parallel_loop3A_83 = arith.addi %mul3A_51, %parallel_loop3A_82 : i32
        %parallel_loop3A_84 = vector.broadcast %parallel_loop3A_83 : i32 to vector<16xi32>
        %parallel_loop3A_85 = arith.addi %parallel_loop3A_84, %iota3A : vector<16xi32>
        %parallel_loop3A_86 = arith.constant 0.000000e+00 : f32
        %parallel_loop3A_87 = vector.broadcast %parallel_loop3A_86 : f32 to vector<16xf32>
        %parallel_loop3A_88 = arith.constant 0 : i32
        %parallel_loop3A_89 = arith.constant 8 : i32
        %parallel_loop3A_90 = arith.addi %parallel_loop3A_88, %parallel_loop3A_89 : i32
        %parallel_loop3A_91 = arith.constant 1 : i32
        %parallel_loop3A_92 = scf.for %scan3A_101 = %parallel_loop3A_88 to %parallel_loop3A_90 step %parallel_loop3A_91 iter_args(%scan3A_102 = %parallel_loop3A_87) -> (vector<16xf32>)  : i32 {
          %parallel_loop3A_103 = arith.constant 16 : i32
          %parallel_loop3A_104 = arith.muli %scan3A_101, %parallel_loop3A_103 : i32
          %parallel_loop3A_105 = vector.broadcast %parallel_loop3A_104 : i32 to vector<16xi32>
          %parallel_loop3A_106 = arith.addi %parallel_loop3A_105, %iota3A : vector<16xi32>
          %parallel_loop3A_107 = arith.constant 0 : i32
          %parallel_loop3A_108 = vector.broadcast %parallel_loop3A_107 : i32 to vector<16xi32>
          %parallel_loop3A_109 = arith.addi %parallel_loop3A_106, %parallel_loop3A_108 : vector<16xi32>
          %parallel_loop3A_110 = arith.constant 127 : i32
          %parallel_loop3A_111 = vector.broadcast %parallel_loop3A_110 : i32 to vector<16xi32>
          %parallel_loop3A_112 = arith.andi %parallel_loop3A_109, %parallel_loop3A_111 : vector<16xi32>
          %parallel_loop3A_113 = tpu.vector_load_idx %arg9[%parallel_loop3A_85, %parallel_loop3A_112] : memref<128x128xf32, #tpu.memory_space<vmem>>[vector<16xi32>, vector<16xi32>], vector<16xf32>,
          %parallel_loop3A_114 = tpu.vector_load_idx %arg10[%parallel_loop3A_85, %parallel_loop3A_112] : memref<128x128xf32, #tpu.memory_space<vmem>>[vector<16xi32>, vector<16xi32>], vector<16xf32>,
          %parallel_loop3A_115 = arith.mulf %parallel_loop3A_113, %parallel_loop3A_114 : vector<16xf32>
          %parallel_loop3A_116 = arith.addf %scan3A_102, %parallel_loop3A_115 : vector<16xf32>
          %parallel_loop3A_117 = arith.constant 1 : i32
          %parallel_loop3A_118 = vector.broadcast %parallel_loop3A_117 : i32 to vector<16xi32>
          %parallel_loop3A_119 = arith.addi %parallel_loop3A_106, %parallel_loop3A_118 : vector<16xi32>
          %parallel_loop3A_120 = arith.constant 127 : i32
          %parallel_loop3A_121 = vector.broadcast %parallel_loop3A_120 : i32 to vector<16xi32>
          %parallel_loop3A_122 = arith.andi %parallel_loop3A_119, %parallel_loop3A_121 : vector<16xi32>
          %parallel_loop3A_123 = tpu.vector_load_idx %arg9[%parallel_loop3A_85, %parallel_loop3A_122] : memref<128x128xf32, #tpu.memory_space<vmem>>[vector<16xi32>, vector<16xi32>], vector<16xf32>,
          %parallel_loop3A_124 = tpu.vector_load_idx %arg10[%parallel_loop3A_85, %parallel_loop3A_122] : memref<128x128xf32, #tpu.memory_space<vmem>>[vector<16xi32>, vector<16xi32>], vector<16xf32>,
          %parallel_loop3A_125 = arith.mulf %parallel_loop3A_123, %parallel_loop3A_124 : vector<16xf32>
          %parallel_loop3A_126 = arith.addf %parallel_loop3A_116, %parallel_loop3A_125 : vector<16xf32>
          %parallel_loop3A_127 = arith.constant 2 : i32
          %parallel_loop3A_128 = vector.broadcast %parallel_loop3A_127 : i32 to vector<16xi32>
          %parallel_loop3A_129 = arith.addi %parallel_loop3A_106, %parallel_loop3A_128 : vector<16xi32>
          %parallel_loop3A_130 = arith.constant 127 : i32
          %parallel_loop3A_131 = vector.broadcast %parallel_loop3A_130 : i32 to vector<16xi32>
          %parallel_loop3A_132 = arith.andi %parallel_loop3A_129, %parallel_loop3A_131 : vector<16xi32>
          %parallel_loop3A_133 = tpu.vector_load_idx %arg9[%parallel_loop3A_85, %parallel_loop3A_132] : memref<128x128xf32, #tpu.memory_space<vmem>>[vector<16xi32>, vector<16xi32>], vector<16xf32>,
          %parallel_loop3A_134 = tpu.vector_load_idx %arg10[%parallel_loop3A_85, %parallel_loop3A_132] : memref<128x128xf32, #tpu.memory_space<vmem>>[vector<16xi32>, vector<16xi32>], vector<16xf32>,
          %parallel_loop3A_135 = arith.mulf %parallel_loop3A_133, %parallel_loop3A_134 : vector<16xf32>
          %parallel_loop3A_136 = arith.addf %parallel_loop3A_126, %parallel_loop3A_135 : vector<16xf32>
          %parallel_loop3A_137 = arith.constant 3 : i32
          %parallel_loop3A_138 = vector.broadcast %parallel_loop3A_137 : i32 to vector<16xi32>
          %parallel_loop3A_139 = arith.addi %parallel_loop3A_106, %parallel_loop3A_138 : vector<16xi32>
          %parallel_loop3A_140 = arith.constant 127 : i32
          %parallel_loop3A_141 = vector.broadcast %parallel_loop3A_140 : i32 to vector<16xi32>
          %parallel_loop3A_142 = arith.andi %parallel_loop3A_139, %parallel_loop3A_141 : vector<16xi32>
          %parallel_loop3A_143 = tpu.vector_load_idx %arg9[%parallel_loop3A_85, %parallel_loop3A_142] : memref<128x128xf32, #tpu.memory_space<vmem>>[vector<16xi32>, vector<16xi32>], vector<16xf32>,
          %parallel_loop3A_144 = tpu.vector_load_idx %arg10[%parallel_loop3A_85, %parallel_loop3A_142] : memref<128x128xf32, #tpu.memory_space<vmem>>[vector<16xi32>, vector<16xi32>], vector<16xf32>,
          %parallel_loop3A_145 = arith.mulf %parallel_loop3A_143, %parallel_loop3A_144 : vector<16xf32>
          %parallel_loop3A_146 = arith.addf %parallel_loop3A_136, %parallel_loop3A_145 : vector<16xf32>
          %parallel_loop3A_147 = arith.constant 4 : i32
          %parallel_loop3A_148 = vector.broadcast %parallel_loop3A_147 : i32 to vector<16xi32>
          %parallel_loop3A_149 = arith.addi %parallel_loop3A_106, %parallel_loop3A_148 : vector<16xi32>
          %parallel_loop3A_150 = arith.constant 127 : i32
          %parallel_loop3A_151 = vector.broadcast %parallel_loop3A_150 : i32 to vector<16xi32>
          %parallel_loop3A_152 = arith.andi %parallel_loop3A_149, %parallel_loop3A_151 : vector<16xi32>
          %parallel_loop3A_153 = tpu.vector_load_idx %arg9[%parallel_loop3A_85, %parallel_loop3A_152] : memref<128x128xf32, #tpu.memory_space<vmem>>[vector<16xi32>, vector<16xi32>], vector<16xf32>,
          %parallel_loop3A_154 = tpu.vector_load_idx %arg10[%parallel_loop3A_85, %parallel_loop3A_152] : memref<128x128xf32, #tpu.memory_space<vmem>>[vector<16xi32>, vector<16xi32>], vector<16xf32>,
          %parallel_loop3A_155 = arith.mulf %parallel_loop3A_153, %parallel_loop3A_154 : vector<16xf32>
          %parallel_loop3A_156 = arith.addf %parallel_loop3A_146, %parallel_loop3A_155 : vector<16xf32>
          %parallel_loop3A_157 = arith.constant 5 : i32
          %parallel_loop3A_158 = vector.broadcast %parallel_loop3A_157 : i32 to vector<16xi32>
          %parallel_loop3A_159 = arith.addi %parallel_loop3A_106, %parallel_loop3A_158 : vector<16xi32>
          %parallel_loop3A_160 = arith.constant 127 : i32
          %parallel_loop3A_161 = vector.broadcast %parallel_loop3A_160 : i32 to vector<16xi32>
          %parallel_loop3A_162 = arith.andi %parallel_loop3A_159, %parallel_loop3A_161 : vector<16xi32>
          %parallel_loop3A_163 = tpu.vector_load_idx %arg9[%parallel_loop3A_85, %parallel_loop3A_162] : memref<128x128xf32, #tpu.memory_space<vmem>>[vector<16xi32>, vector<16xi32>], vector<16xf32>,
          %parallel_loop3A_164 = tpu.vector_load_idx %arg10[%parallel_loop3A_85, %parallel_loop3A_162] : memref<128x128xf32, #tpu.memory_space<vmem>>[vector<16xi32>, vector<16xi32>], vector<16xf32>,
          %parallel_loop3A_165 = arith.mulf %parallel_loop3A_163, %parallel_loop3A_164 : vector<16xf32>
          %parallel_loop3A_166 = arith.addf %parallel_loop3A_156, %parallel_loop3A_165 : vector<16xf32>
          %parallel_loop3A_167 = arith.constant 6 : i32
          %parallel_loop3A_168 = vector.broadcast %parallel_loop3A_167 : i32 to vector<16xi32>
          %parallel_loop3A_169 = arith.addi %parallel_loop3A_106, %parallel_loop3A_168 : vector<16xi32>
          %parallel_loop3A_170 = arith.constant 127 : i32
          %parallel_loop3A_171 = vector.broadcast %parallel_loop3A_170 : i32 to vector<16xi32>
          %parallel_loop3A_172 = arith.andi %parallel_loop3A_169, %parallel_loop3A_171 : vector<16xi32>
          %parallel_loop3A_173 = tpu.vector_load_idx %arg9[%parallel_loop3A_85, %parallel_loop3A_172] : memref<128x128xf32, #tpu.memory_space<vmem>>[vector<16xi32>, vector<16xi32>], vector<16xf32>,
          %parallel_loop3A_174 = tpu.vector_load_idx %arg10[%parallel_loop3A_85, %parallel_loop3A_172] : memref<128x128xf32, #tpu.memory_space<vmem>>[vector<16xi32>, vector<16xi32>], vector<16xf32>,
          %parallel_loop3A_175 = arith.mulf %parallel_loop3A_173, %parallel_loop3A_174 : vector<16xf32>
          %parallel_loop3A_176 = arith.addf %parallel_loop3A_166, %parallel_loop3A_175 : vector<16xf32>
          %parallel_loop3A_177 = arith.constant 7 : i32
          %parallel_loop3A_178 = vector.broadcast %parallel_loop3A_177 : i32 to vector<16xi32>
          %parallel_loop3A_179 = arith.addi %parallel_loop3A_106, %parallel_loop3A_178 : vector<16xi32>
          %parallel_loop3A_180 = arith.constant 127 : i32
          %parallel_loop3A_181 = vector.broadcast %parallel_loop3A_180 : i32 to vector<16xi32>
          %parallel_loop3A_182 = arith.andi %parallel_loop3A_179, %parallel_loop3A_181 : vector<16xi32>
          %parallel_loop3A_183 = tpu.vector_load_idx %arg9[%parallel_loop3A_85, %parallel_loop3A_182] : memref<128x128xf32, #tpu.memory_space<vmem>>[vector<16xi32>, vector<16xi32>], vector<16xf32>,
          %parallel_loop3A_184 = tpu.vector_load_idx %arg10[%parallel_loop3A_85, %parallel_loop3A_182] : memref<128x128xf32, #tpu.memory_space<vmem>>[vector<16xi32>, vector<16xi32>], vector<16xf32>,
          %parallel_loop3A_185 = arith.mulf %parallel_loop3A_183, %parallel_loop3A_184 : vector<16xf32>
          %parallel_loop3A_186 = arith.addf %parallel_loop3A_176, %parallel_loop3A_185 : vector<16xf32>
          %parallel_loop3A_187 = arith.constant 8 : i32
          %parallel_loop3A_188 = vector.broadcast %parallel_loop3A_187 : i32 to vector<16xi32>
          %parallel_loop3A_189 = arith.addi %parallel_loop3A_106, %parallel_loop3A_188 : vector<16xi32>
          %parallel_loop3A_190 = arith.constant 127 : i32
          %parallel_loop3A_191 = vector.broadcast %parallel_loop3A_190 : i32 to vector<16xi32>
          %parallel_loop3A_192 = arith.andi %parallel_loop3A_189, %parallel_loop3A_191 : vector<16xi32>
          %parallel_loop3A_193 = tpu.vector_load_idx %arg9[%parallel_loop3A_85, %parallel_loop3A_192] : memref<128x128xf32, #tpu.memory_space<vmem>>[vector<16xi32>, vector<16xi32>], vector<16xf32>,
          %parallel_loop3A_194 = tpu.vector_load_idx %arg10[%parallel_loop3A_85, %parallel_loop3A_192] : memref<128x128xf32, #tpu.memory_space<vmem>>[vector<16xi32>, vector<16xi32>], vector<16xf32>,
          %parallel_loop3A_195 = arith.mulf %parallel_loop3A_193, %parallel_loop3A_194 : vector<16xf32>
          %parallel_loop3A_196 = arith.addf %parallel_loop3A_186, %parallel_loop3A_195 : vector<16xf32>
          %parallel_loop3A_197 = arith.constant 9 : i32
          %parallel_loop3A_198 = vector.broadcast %parallel_loop3A_197 : i32 to vector<16xi32>
          %parallel_loop3A_199 = arith.addi %parallel_loop3A_106, %parallel_loop3A_198 : vector<16xi32>
          %parallel_loop3A_200 = arith.constant 127 : i32
          %parallel_loop3A_201 = vector.broadcast %parallel_loop3A_200 : i32 to vector<16xi32>
          %parallel_loop3A_202 = arith.andi %parallel_loop3A_199, %parallel_loop3A_201 : vector<16xi32>
          %parallel_loop3A_203 = tpu.vector_load_idx %arg9[%parallel_loop3A_85, %parallel_loop3A_202] : memref<128x128xf32, #tpu.memory_space<vmem>>[vector<16xi32>, vector<16xi32>], vector<16xf32>,
          %parallel_loop3A_204 = tpu.vector_load_idx %arg10[%parallel_loop3A_85, %parallel_loop3A_202] : memref<128x128xf32, #tpu.memory_space<vmem>>[vector<16xi32>, vector<16xi32>], vector<16xf32>,
          %parallel_loop3A_205 = arith.mulf %parallel_loop3A_203, %parallel_loop3A_204 : vector<16xf32>
          %parallel_loop3A_206 = arith.addf %parallel_loop3A_196, %parallel_loop3A_205 : vector<16xf32>
          %parallel_loop3A_207 = arith.constant 10 : i32
          %parallel_loop3A_208 = vector.broadcast %parallel_loop3A_207 : i32 to vector<16xi32>
          %parallel_loop3A_209 = arith.addi %parallel_loop3A_106, %parallel_loop3A_208 : vector<16xi32>
          %parallel_loop3A_210 = arith.constant 127 : i32
          %parallel_loop3A_211 = vector.broadcast %parallel_loop3A_210 : i32 to vector<16xi32>
          %parallel_loop3A_212 = arith.andi %parallel_loop3A_209, %parallel_loop3A_211 : vector<16xi32>
          %parallel_loop3A_213 = tpu.vector_load_idx %arg9[%parallel_loop3A_85, %parallel_loop3A_212] : memref<128x128xf32, #tpu.memory_space<vmem>>[vector<16xi32>, vector<16xi32>], vector<16xf32>,
          %parallel_loop3A_214 = tpu.vector_load_idx %arg10[%parallel_loop3A_85, %parallel_loop3A_212] : memref<128x128xf32, #tpu.memory_space<vmem>>[vector<16xi32>, vector<16xi32>], vector<16xf32>,
          %parallel_loop3A_215 = arith.mulf %parallel_loop3A_213, %parallel_loop3A_214 : vector<16xf32>
          %parallel_loop3A_216 = arith.addf %parallel_loop3A_206, %parallel_loop3A_215 : vector<16xf32>
          %parallel_loop3A_217 = arith.constant 11 : i32
          %parallel_loop3A_218 = vector.broadcast %parallel_loop3A_217 : i32 to vector<16xi32>
          %parallel_loop3A_219 = arith.addi %parallel_loop3A_106, %parallel_loop3A_218 : vector<16xi32>
          %parallel_loop3A_220 = arith.constant 127 : i32
          %parallel_loop3A_221 = vector.broadcast %parallel_loop3A_220 : i32 to vector<16xi32>
          %parallel_loop3A_222 = arith.andi %parallel_loop3A_219, %parallel_loop3A_221 : vector<16xi32>
          %parallel_loop3A_223 = tpu.vector_load_idx %arg9[%parallel_loop3A_85, %parallel_loop3A_222] : memref<128x128xf32, #tpu.memory_space<vmem>>[vector<16xi32>, vector<16xi32>], vector<16xf32>,
          %parallel_loop3A_224 = tpu.vector_load_idx %arg10[%parallel_loop3A_85, %parallel_loop3A_222] : memref<128x128xf32, #tpu.memory_space<vmem>>[vector<16xi32>, vector<16xi32>], vector<16xf32>,
          %parallel_loop3A_225 = arith.mulf %parallel_loop3A_223, %parallel_loop3A_224 : vector<16xf32>
          %parallel_loop3A_226 = arith.addf %parallel_loop3A_216, %parallel_loop3A_225 : vector<16xf32>
          %parallel_loop3A_227 = arith.constant 12 : i32
          %parallel_loop3A_228 = vector.broadcast %parallel_loop3A_227 : i32 to vector<16xi32>
          %parallel_loop3A_229 = arith.addi %parallel_loop3A_106, %parallel_loop3A_228 : vector<16xi32>
          %parallel_loop3A_230 = arith.constant 127 : i32
          %parallel_loop3A_231 = vector.broadcast %parallel_loop3A_230 : i32 to vector<16xi32>
          %parallel_loop3A_232 = arith.andi %parallel_loop3A_229, %parallel_loop3A_231 : vector<16xi32>
          %parallel_loop3A_233 = tpu.vector_load_idx %arg9[%parallel_loop3A_85, %parallel_loop3A_232] : memref<128x128xf32, #tpu.memory_space<vmem>>[vector<16xi32>, vector<16xi32>], vector<16xf32>,
          %parallel_loop3A_234 = tpu.vector_load_idx %arg10[%parallel_loop3A_85, %parallel_loop3A_232] : memref<128x128xf32, #tpu.memory_space<vmem>>[vector<16xi32>, vector<16xi32>], vector<16xf32>,
          %parallel_loop3A_235 = arith.mulf %parallel_loop3A_233, %parallel_loop3A_234 : vector<16xf32>
          %parallel_loop3A_236 = arith.addf %parallel_loop3A_226, %parallel_loop3A_235 : vector<16xf32>
          %parallel_loop3A_237 = arith.constant 13 : i32
          %parallel_loop3A_238 = vector.broadcast %parallel_loop3A_237 : i32 to vector<16xi32>
          %parallel_loop3A_239 = arith.addi %parallel_loop3A_106, %parallel_loop3A_238 : vector<16xi32>
          %parallel_loop3A_240 = arith.constant 127 : i32
          %parallel_loop3A_241 = vector.broadcast %parallel_loop3A_240 : i32 to vector<16xi32>
          %parallel_loop3A_242 = arith.andi %parallel_loop3A_239, %parallel_loop3A_241 : vector<16xi32>
          %parallel_loop3A_243 = tpu.vector_load_idx %arg9[%parallel_loop3A_85, %parallel_loop3A_242] : memref<128x128xf32, #tpu.memory_space<vmem>>[vector<16xi32>, vector<16xi32>], vector<16xf32>,
          %parallel_loop3A_244 = tpu.vector_load_idx %arg10[%parallel_loop3A_85, %parallel_loop3A_242] : memref<128x128xf32, #tpu.memory_space<vmem>>[vector<16xi32>, vector<16xi32>], vector<16xf32>,
          %parallel_loop3A_245 = arith.mulf %parallel_loop3A_243, %parallel_loop3A_244 : vector<16xf32>
          %parallel_loop3A_246 = arith.addf %parallel_loop3A_236, %parallel_loop3A_245 : vector<16xf32>
          %parallel_loop3A_247 = arith.constant 14 : i32
          %parallel_loop3A_248 = vector.broadcast %parallel_loop3A_247 : i32 to vector<16xi32>
          %parallel_loop3A_249 = arith.addi %parallel_loop3A_106, %parallel_loop3A_248 : vector<16xi32>
          %parallel_loop3A_250 = arith.constant 127 : i32
          %parallel_loop3A_251 = vector.broadcast %parallel_loop3A_250 : i32 to vector<16xi32>
          %parallel_loop3A_252 = arith.andi %parallel_loop3A_249, %parallel_loop3A_251 : vector<16xi32>
          %parallel_loop3A_253 = tpu.vector_load_idx %arg9[%parallel_loop3A_85, %parallel_loop3A_252] : memref<128x128xf32, #tpu.memory_space<vmem>>[vector<16xi32>, vector<16xi32>], vector<16xf32>,
          %parallel_loop3A_254 = tpu.vector_load_idx %arg10[%parallel_loop3A_85, %parallel_loop3A_252] : memref<128x128xf32, #tpu.memory_space<vmem>>[vector<16xi32>, vector<16xi32>], vector<16xf32>,
          %parallel_loop3A_255 = arith.mulf %parallel_loop3A_253, %parallel_loop3A_254 : vector<16xf32>
          %parallel_loop3A_256 = arith.addf %parallel_loop3A_246, %parallel_loop3A_255 : vector<16xf32>
          %parallel_loop3A_257 = arith.constant 15 : i32
          %parallel_loop3A_258 = vector.broadcast %parallel_loop3A_257 : i32 to vector<16xi32>
          %parallel_loop3A_259 = arith.addi %parallel_loop3A_106, %parallel_loop3A_258 : vector<16xi32>
          %parallel_loop3A_260 = arith.constant 127 : i32
          %parallel_loop3A_261 = vector.broadcast %parallel_loop3A_260 : i32 to vector<16xi32>
          %parallel_loop3A_262 = arith.andi %parallel_loop3A_259, %parallel_loop3A_261 : vector<16xi32>
          %parallel_loop3A_263 = tpu.vector_load_idx %arg9[%parallel_loop3A_85, %parallel_loop3A_262] : memref<128x128xf32, #tpu.memory_space<vmem>>[vector<16xi32>, vector<16xi32>], vector<16xf32>,
          %parallel_loop3A_264 = tpu.vector_load_idx %arg10[%parallel_loop3A_85, %parallel_loop3A_262] : memref<128x128xf32, #tpu.memory_space<vmem>>[vector<16xi32>, vector<16xi32>], vector<16xf32>,
          %parallel_loop3A_265 = arith.mulf %parallel_loop3A_263, %parallel_loop3A_264 : vector<16xf32>
          %parallel_loop3A_266 = arith.addf %parallel_loop3A_256, %parallel_loop3A_265 : vector<16xf32>
          scf.yield %parallel_loop3A_266 : vector<16xf32>
        }
        %parallel_loop3A_93 = arith.constant 8 : i32
        %parallel_loop3A_94 = arith.constant 64 : i32
        %parallel_loop3A_95 = arith.muli %scan3A_47, %parallel_loop3A_94 : i32
        %parallel_loop3A_96 = arith.constant 16 : i32
        %parallel_loop3A_97 = arith.muli %parallel_loop3A_80, %parallel_loop3A_96 : i32
        %parallel_loop3A_98 = arith.addi %parallel_loop3A_95, %parallel_loop3A_97 : i32
        %parallel_loop3A_99 = arith.index_cast %parallel_loop3A_98 : i32 to index
        %parallel_loop3A_100 = tpu.vector_load %arg11[%parallel_loop3A_99] {strides = array<i32>} : memref<512xf32, #tpu.memory_space<vmem>>, vector<16xf32>,
        tpu.vector_store %arg11[%parallel_loop3A_99], %parallel_loop3A_92 {strides = array<i32>} : memref<512xf32, #tpu.memory_space<vmem>>, vector<16xf32>,
      } {sc.loop_unroll_factor = 1 : i64, sc.parallel_access}
      %eq3A_61 = arith.constant 0 : i32
      %eq3A_62 = arith.cmpi eq, %rem3A_49, %eq3A_61 : i32
      %add3A_63 = arith.constant 2 : i32
      %add3A_64 = arith.addi %scan3A_47, %add3A_63 : i32
      %lt3A = arith.constant 8 : i32
      %lt3A_65 = arith.cmpi slt, %add3A_64, %lt3A : i32
      %and3A = arith.andi %eq3A_62, %lt3A_65 : i1
      %convert_element_type3A_66 = arith.extui %and3A : i1 to i32
      %cond3A_67 = arith.constant 0 : i32
      %cond3A_68 = arith.cmpi ne, %convert_element_type3A_66, %cond3A_67 : i32
      scf.if %cond3A_68 {
        %add3A_80 = arith.constant 2 : i32
        %add3A_81 = arith.addi %scan3A_47, %add3A_80 : i32
        %mul3A_82 = arith.constant 64 : i32
        %mul3A_83 = arith.muli %add3A_81, %mul3A_82 : i32
        %mul3A_84 = arith.constant 64 : i32
        %mul3A_85 = arith.muli %add3A_81, %mul3A_84 : i32
        %dma_start3A_86 = arith.constant 0 : i32
        %dma_start3A_87 = arith.constant 0 : i32
        %dma_start3A_88 = tpu.memref_slice %arg9[%dma_start3A_86, %dma_start3A_87] : memref<128x128xf32, #tpu.memory_space<vmem>> -> memref<64x128xf32, #tpu.memory_space<vmem>>
        %dma_start3A_89 = tpu.memref_slice %arg7[%mul3A_83] : memref<512xi32, #tpu.memory_space<vmem>> -> memref<64xi32, #tpu.memory_space<vmem>>
        %dma_start3A_90 = arith.constant 0 : i32
        %dma_start3A_91 = arith.constant 0 : i32
        %dma_start3A_92 = tpu.memref_slice %arg4[%dma_start3A_90, %dma_start3A_91] : memref<100000x128xf32, #tpu.memory_space<hbm>> -> memref<100000x128xf32, #tpu.memory_space<hbm>>
        tpu.enqueue_indirect_dma source(%dma_start3A_92 : memref<100000x128xf32, #tpu.memory_space<hbm>>) target(%dma_start3A_88 : memref<64x128xf32, #tpu.memory_space<vmem>>) offsets(%dma_start3A_89 : memref<64xi32, #tpu.memory_space<vmem>>) semaphore(%arg12 : memref<!tpu.dma_semaphore, #tpu.memory_space<semaphore_mem>>)
        %dma_start3A_93 = arith.constant 0 : i32
        %dma_start3A_94 = arith.constant 0 : i32
        %dma_start3A_95 = tpu.memref_slice %arg10[%dma_start3A_93, %dma_start3A_94] : memref<128x128xf32, #tpu.memory_space<vmem>> -> memref<64x128xf32, #tpu.memory_space<vmem>>
        %dma_start3A_96 = tpu.memref_slice %arg8[%mul3A_85] : memref<512xi32, #tpu.memory_space<vmem>> -> memref<64xi32, #tpu.memory_space<vmem>>
        %dma_start3A_97 = arith.constant 0 : i32
        %dma_start3A_98 = arith.constant 0 : i32
        %dma_start3A_99 = tpu.memref_slice %arg5[%dma_start3A_97, %dma_start3A_98] : memref<1000000x128xf32, #tpu.memory_space<hbm>> -> memref<1000000x128xf32, #tpu.memory_space<hbm>>
        tpu.enqueue_indirect_dma source(%dma_start3A_99 : memref<1000000x128xf32, #tpu.memory_space<hbm>>) target(%dma_start3A_95 : memref<64x128xf32, #tpu.memory_space<vmem>>) offsets(%dma_start3A_96 : memref<64xi32, #tpu.memory_space<vmem>>) semaphore(%arg14 : memref<!tpu.dma_semaphore, #tpu.memory_space<semaphore_mem>>)
      } else {
      }
      %eq3A_69 = arith.constant 1 : i32
      %eq3A_70 = arith.cmpi eq, %rem3A_49, %eq3A_69 : i32
      %add3A_71 = arith.constant 2 : i32
      %add3A_72 = arith.addi %scan3A_47, %add3A_71 : i32
      %lt3A_73 = arith.constant 8 : i32
      %lt3A_74 = arith.cmpi slt, %add3A_72, %lt3A_73 : i32
      %and3A_75 = arith.andi %eq3A_70, %lt3A_74 : i1
      %convert_element_type3A_76 = arith.extui %and3A_75 : i1 to i32
      %cond3A_77 = arith.constant 0 : i32
      %cond3A_78 = arith.cmpi ne, %convert_element_type3A_76, %cond3A_77 : i32
      scf.if %cond3A_78 {
        %add3A_80 = arith.constant 2 : i32
        %add3A_81 = arith.addi %scan3A_47, %add3A_80 : i32
        %mul3A_82 = arith.constant 64 : i32
        %mul3A_83 = arith.muli %add3A_81, %mul3A_82 : i32
        %mul3A_84 = arith.constant 64 : i32
        %mul3A_85 = arith.muli %add3A_81, %mul3A_84 : i32
        %dma_start3A_86 = arith.constant 64 : i32
        %dma_start3A_87 = arith.constant 0 : i32
        %dma_start3A_88 = tpu.memref_slice %arg9[%dma_start3A_86, %dma_start3A_87] : memref<128x128xf32, #tpu.memory_space<vmem>> -> memref<64x128xf32, #tpu.memory_space<vmem>>
        %dma_start3A_89 = tpu.memref_slice %arg7[%mul3A_83] : memref<512xi32, #tpu.memory_space<vmem>> -> memref<64xi32, #tpu.memory_space<vmem>>
        %dma_start3A_90 = arith.constant 0 : i32
        %dma_start3A_91 = arith.constant 0 : i32
        %dma_start3A_92 = tpu.memref_slice %arg4[%dma_start3A_90, %dma_start3A_91] : memref<100000x128xf32, #tpu.memory_space<hbm>> -> memref<100000x128xf32, #tpu.memory_space<hbm>>
        tpu.enqueue_indirect_dma source(%dma_start3A_92 : memref<100000x128xf32, #tpu.memory_space<hbm>>) target(%dma_start3A_88 : memref<64x128xf32, #tpu.memory_space<vmem>>) offsets(%dma_start3A_89 : memref<64xi32, #tpu.memory_space<vmem>>) semaphore(%arg13 : memref<!tpu.dma_semaphore, #tpu.memory_space<semaphore_mem>>)
        %dma_start3A_93 = arith.constant 64 : i32
        %dma_start3A_94 = arith.constant 0 : i32
        %dma_start3A_95 = tpu.memref_slice %arg10[%dma_start3A_93, %dma_start3A_94] : memref<128x128xf32, #tpu.memory_space<vmem>> -> memref<64x128xf32, #tpu.memory_space<vmem>>
        %dma_start3A_96 = tpu.memref_slice %arg8[%mul3A_85] : memref<512xi32, #tpu.memory_space<vmem>> -> memref<64xi32, #tpu.memory_space<vmem>>
        %dma_start3A_97 = arith.constant 0 : i32
        %dma_start3A_98 = arith.constant 0 : i32
        %dma_start3A_99 = tpu.memref_slice %arg5[%dma_start3A_97, %dma_start3A_98] : memref<1000000x128xf32, #tpu.memory_space<hbm>> -> memref<1000000x128xf32, #tpu.memory_space<hbm>>
        tpu.enqueue_indirect_dma source(%dma_start3A_99 : memref<1000000x128xf32, #tpu.memory_space<hbm>>) target(%dma_start3A_95 : memref<64x128xf32, #tpu.memory_space<vmem>>) offsets(%dma_start3A_96 : memref<64xi32, #tpu.memory_space<vmem>>) semaphore(%arg15 : memref<!tpu.dma_semaphore, #tpu.memory_space<semaphore_mem>>)
      } else {
      }
      %scan3A_79 = arith.constant 0 : i32
      scf.yield %scan3A_79 : i32
    }
    %scan3A_46 = arith.constant 8 : i32
    "tpu.region"() ({
      %run_scoped3A = tpu.sem_alloc : memref<!tpu.dma_semaphore, #tpu.memory_space<semaphore_mem>>
      %dma_start3A_47 = tpu.memref_slice %arg6[%mul3A_2] : memref<16384xf32, #tpu.memory_space<hbm>> -> memref<512xf32, #tpu.memory_space<hbm>>
      %dma_start3A_48 = tpu.memref_slice %arg6[%mul3A_2] : memref<16384xf32, #tpu.memory_space<hbm>> -> memref<512xf32, #tpu.memory_space<hbm>>
      tpu.enqueue_dma source(%arg11 : memref<512xf32, #tpu.memory_space<vmem>>) target(%dma_start3A_48 : memref<512xf32, #tpu.memory_space<hbm>>) target_semaphore(%run_scoped3A : memref<!tpu.dma_semaphore, #tpu.memory_space<semaphore_mem>>)
      %dma_wait3A_49 = tpu.memref_slice %arg6[%mul3A_2] : memref<16384xf32, #tpu.memory_space<hbm>> -> memref<512xf32, #tpu.memory_space<hbm>>
      %dma_wait3A_50 = tpu.memref_slice %arg6[%mul3A_2] : memref<16384xf32, #tpu.memory_space<hbm>> -> memref<512xf32, #tpu.memory_space<hbm>>
      tpu.wait_dma2 semaphore(%run_scoped3A : memref<!tpu.dma_semaphore, #tpu.memory_space<semaphore_mem>>) src(%arg11 : memref<512xf32, #tpu.memory_space<vmem>>) dst(%dma_wait3A_50 : memref<512xf32, #tpu.memory_space<hbm>>)
      tpu.yield
    }) : () -> ()
    return
  }
}

</mosaic_0001>

<sc_bundles>
// kernel: kernel.3.cloned.1.call-start
scs
__scs_entry_jumppad:
0x0: {  	(pc) =	sbr.rel $0x88, $3  }
0x1: {  	(tag) =	ssettag $0x0;
	lr =	simm.s32 $0x1  }
0x2: {  	[smem:$0x3F9D] =	sst lr;
	_ =	strace $0xD0000000  }
0x3: {  	_ = 	snop  }
0x4: {  	_ = 	snop  }
0x5: {  	_ = 	snop  }
0x6: {  	_ = 	snop  }
0x7: {  	_ = 	snop  }
__scs_overlays_trampoline_lowered:
0x8: {  	[smem:$0x3FAC] =	sst s0  }
0x9: {  	[smem:$0x3FAD] =	sst s1  }
0xa: {  	[smem:$0x3FAE] =	sst s2  }
0xb: {  	[smem:$0x3FAF] =	sst s3  }
0xc: {  	[smem:$0x3FB0] =	sst s4  }
0xd: {  	[smem:$0x3FB1] =	sst s5  }
0xe: {  	[smem:$0x3FB2] =	sst s6  }
0xf: {  	[smem:$0x3FB3] =	sst s7  }
0x10: {  	[smem:$0x3FB4] =	sst s8  }
0x11: {  	[smem:$0x3FB5] =	sst s9;
	s0 =	simm.s32 @!p0 $0x0  }
0x12: {  	s1 =	sld [smem:$0x3F9B];
	s0 =	simm.s32 @p0 $0x1  }
0x13: {  	[smem:$0x3FB6] =	sst s0;
	s0 =	simm.s32 @!p1 $0x0  }
0x14: {  	s2 =	sld [smem:$0x3F9A];
	s0 =	simm.s32 @p1 $0x1  }
0x15: {  	[smem:$0x3FB7] =	sst s0;
	s0 =	simm.s32 @!p2 $0x0  }
0x16: {  	s3 =	sld [smem:$0x3FDB];
	s0 =	simm.s32 @p2 $0x1  }
0x17: {  	s4 =	simm.s32 $0x1BF5;
	[smem:$0x3FB9] =	sst s0  }
0x18: {  	s0 =	sld [smem:$0x3F9C];
	_ =	swait.ge [sflag:s4], $0x0  }
0x19: {  	s7 =	sld [smem:$0x3F9D]  }
0x1a: {  	s8 =	sadd.s32 $0xFFFFE003, lr  }
0x1b: {  	s9 =	sadd.s32 $0xFFFFFEF7, lr;
	s5 =	simm.s32 $0xFFFFFFFF;
	p2 =	slt.u32 s8, $0xFFFFF086  }
0x1c: {  	p1 =	slt.u32 s9, $0xF7A;
	s5 =	simm.s32 @!p2 $0x0  }
0x1d: {  	s5 =	simm.s32 @p1 $0x1;
	p0 =	seq.s32 s7, s2  }
0x1e: {  	s7 =	smul.u32 @!p0 $0xF7A, s2;
	p2 =	seq.s32 @!p0 s5, $0x0  }
0x1f: {  	s9 =	smul.u32 $0xF7A, s1;
	s8 =	simm.s32 @!p0 $0x1BF5;
	p2 =	por !p2, p0  }
0x20: {  	[sflag:s8] =	ssyncset.s32 @!p0 $0xFFFFF086;
	s6 =	sadd.s32 @!p0 s3, s7;
	s7 =	simm.s32 @!p0 $0x108  }
0x21: {  	s3 =	sadd.s32 s3, s9;
	s6 =	sadd.s32 @!p0 $0x88, s6;
	s7 =	simm.s32 @p2 $0x1082  }
0x22: {  	[simem:s7], [sflag:s8] =	dma.local @!p0 [hbm:s6], $0xF7A  }
0x23: {  	s9 =	sor.u32 $0xD0000000, s2;
	s6 =	simm.s32 $0x108;
	_ =	swait.ge @!p0 [sflag:s8], $0x0  }
0x24: {  	s3 =	sadd.s32 $0x88, s3;
	s6 =	simm.s32 @!p1 $0x1082;
	[sflag:s4] =	ssyncset.s32 $0xFFFFF086  }
0x25: {  	[simem:s6], [sflag:s4] =	dma.local [hbm:s3], $0xF7A  }
0x26: {  	[smem:$0x3F9D] =	sst s1;
	(tag) =	ssettag s2;
	_ =	strace s9  }
0x27: {  	s1 =	sld [smem:$0x3FAD]  }
0x28: {  	s2 =	sld [smem:$0x3FAE]  }
0x29: {  	s4 =	sld [smem:$0x3FB0]  }
0x2a: {  	p0 =	seq.s32 s5, $0x0;
	s5 =	sld [smem:$0x3FB1]  }
0x2b: {  	s6 =	sld [smem:$0x3FB2]  }
0x2c: {  	s7 =	sld [smem:$0x3FB3]  }
0x2d: {  	s3 =	simm.s32 $0x108;
	s8 =	sld [smem:$0x3FB4]  }
0x2e: {  	s3 =	simm.s32 @!p0 $0x1082;
	s9 =	sld [smem:$0x3FB5]  }
0x2f: {  	lr =	sadd.s32 s0, s3;
	s0 =	sld [smem:$0x3FAC]  }
0x30: {  	s3 =	sld [smem:$0x3FAF]  }
0x31: {  	[smem:$0x3FB8] =	sst s10  }
0x32: {  	s10 =	sld [smem:$0x3FB6];
	_ =	sdelay $0x3  }
0x33: {  	p0 =	seq.s32 s10, $0x1;
	s10 =	sld [smem:$0x3FB8];
	_ =	sdelay $0x3  }
0x34: {  	[smem:$0x3FB8] =	sst s10  }
0x35: {  	s10 =	sld [smem:$0x3FB7];
	_ =	sdelay $0x3  }
0x36: {  	p1 =	seq.s32 s10, $0x1;
	s10 =	sld [smem:$0x3FB8];
	_ =	sdelay $0x3  }
0x37: {  	[smem:$0x3FB8] =	sst s10  }
0x38: {  	s10 =	sld [smem:$0x3FB9]  }
0x39: {  	_ = 	snop;
	(pc) =	sbr.ind lr, $3  }
0x3a: {  	_ = 	snop  }
0x3b: {  	_ = 	snop  }
0x3c: {  	p2 =	seq.s32 s10, $0x1;
	s10 =	sld [smem:$0x3FB8]  }
0x3d: {  	_ =	shalt  }
0x3e: {  	_ =	shalt  }
0x3f: {  	_ =	shalt  }
0x40: {  	_ =	shalt  }
0x41: {  	_ =	shalt  }
0x42: {  	_ =	shalt  }
0x43: {  	_ =	shalt  }
0x44: {  	_ =	shalt  }
0x45: {  	_ =	shalt  }
0x46: {  	_ =	shalt  }
0x47: {  	_ =	shalt  }
0x48: {  	_ =	shalt  }
0x49: {  	_ =	shalt  }
0x4a: {  	_ =	shalt  }
0x4b: {  	_ =	shalt  }
0x4c: {  	_ =	shalt  }
0x4d: {  	_ =	shalt  }
0x4e: {  	_ =	shalt  }
0x4f: {  	_ =	shalt  }
0x50: {  	_ =	shalt  }
0x51: {  	_ =	shalt  }
0x52: {  	_ =	shalt  }
0x53: {  	_ =	shalt  }
0x54: {  	_ =	shalt  }
0x55: {  	_ =	shalt  }
0x56: {  	_ =	shalt  }
0x57: {  	_ =	shalt  }
0x58: {  	_ =	shalt  }
0x59: {  	_ =	shalt  }
0x5a: {  	_ =	shalt  }
0x5b: {  	_ =	shalt  }
0x5c: {  	_ =	shalt  }
0x5d: {  	_ =	shalt  }
0x5e: {  	_ =	shalt  }
0x5f: {  	_ =	shalt  }
0x60: {  	_ =	shalt  }
0x61: {  	_ =	shalt  }
0x62: {  	_ =	shalt  }
0x63: {  	_ =	shalt  }
0x64: {  	_ =	shalt  }
0x65: {  	_ =	shalt  }
0x66: {  	_ =	shalt  }
0x67: {  	_ =	shalt  }
0x68: {  	_ =	shalt  }
0x69: {  	_ =	shalt  }
0x6a: {  	_ =	shalt  }
0x6b: {  	_ =	shalt  }
0x6c: {  	_ =	shalt  }
0x6d: {  	_ =	shalt  }
0x6e: {  	_ =	shalt  }
0x6f: {  	_ =	shalt  }
0x70: {  	_ =	shalt  }
0x71: {  	_ =	shalt  }
0x72: {  	_ =	shalt  }
0x73: {  	_ =	shalt  }
0x74: {  	_ =	shalt  }
0x75: {  	_ =	shalt  }
0x76: {  	_ =	shalt  }
0x77: {  	_ =	shalt  }
0x78: {  	_ =	shalt  }
0x79: {  	_ =	shalt  }
0x7a: {  	_ =	shalt  }
0x7b: {  	_ =	shalt  }
0x7c: {  	_ =	shalt  }
0x7d: {  	_ =	shalt  }
0x7e: {  	_ =	shalt  }
0x7f: {  	_ =	shalt  }
0x80: {  	_ =	shalt  }
0x81: {  	_ =	shalt  }
0x82: {  	_ =	shalt  }
0x83: {  	_ =	shalt  }
0x84: {  	_ =	shalt  }
0x85: {  	_ =	shalt  }
0x86: {  	_ =	shalt  }
0x87: {  	_ =	shalt  }
.Lfunc_end0:
.L_simem_size_0:
called_computation_lowered:
.L_overlay_start_0:
0x88: {  	s2 =	sld [smem:$0x3FD9]  }
0x89: {  	s3 =	sld [smem:$0x3FFE];
	_ =	sdelay $0x1  }
0x8a: {  	s1 =	srdreg.scid  }
0x8b: {  	s0 =	sand.u32 $0x1, s1  }
0x8c: {  	s18 =	sshll.u32 s0, $0xA;
	s2 =	sadd.s32 s3, s2  }
0x8d: {  	s2 =	sadd.s32 s2, s18  }
0x8e: {  	[smem:$0x3FC4] =	sst s2  }
0x8f: {  	_ = 	snop  }
0x90: {  	s2 =	sld [smem:$0x3FC9]  }
0x91: {  	s19 =	sld [smem:$0x3FC8]  }
0x92: {  	s4 =	sld [smem:$0x3FC7]  }
0x93: {  	s5 =	sld [smem:$0x3FC6]  }
0x94: {  	s6 =	sld [smem:$0x3FD0];
	(tm) =	ssettm $0x1  }
0x95: {  	s7 =	sld [smem:$0x3FFB];
	_ =	sdelay $0x3  }
0x96: {  	_ =	strace s7  }
0x97: {  	s7 =	sld [smem:$0x3FFC];
	_ =	sdelay $0x3  }
0x98: {  	_ =	strace s7  }
0x99: {  	s7 =	sld [smem:$0x3FFD];
	_ =	sdelay $0x3  }
0x9a: {  	_ =	strace s7  }
0x9b: {  	_ =	strace $0x8FFFFFFF  }
0x9c: {  	s20 =	sld [smem:$0x3FDB];
	_ =	sdelay $0x1  }
0x9d: {  	s8 =	simm.s32 $_scs_section_size  }
0x9e: {  	s9 =	simm.s32 $_size__tile_overlayer_lowered;
	s10 =	simm.s32 $_tile_overlayer_lowered  }
0x9f: {  	s23 =	simm.s32 $0x1BFF;
	s22 =	sshll.u32 s10, $0x1;
	s7 =	sadd.s32 s8, s20  }
0xa0: {  	s11 =	simm.s32 $0x0;
	s21 =	sshll.u32 s9, $0x1;
	s9 =	sadd.s32 s22, s7  }
0xa1: {  	[timem:s11], [sflag:s23] =	dma.local [hbm:s9], s21  }
0xa2: {  	_ =	swait.ge [sflag:s23], s21  }
0xa3: {  	s8 =	ssub.s32 $0x0, s21;
	[sflag:s23] =	ssyncset.done $0x0  }
0xa4: {  	[sflag:s23] =	ssyncadd.s32 s8;
	_ =	sdelay $0x1  }
0xa5: {  	s24 =	simm.s32 $0x1B8B  }
0xa6: {  	_ =	swait.ge [sflag:s24], $0x1  }
0xa7: {  	[sflag:s24] =	ssyncset.done $0x0  }
0xa8: {  	s25 =	simm.s32 $0x1B8E;
	[sflag:s24] =	ssyncadd.s32 $0xFFFFFFFF  }
0xa9: {  	s26 =	simm.s32 $execute0_lowered;
	[smem:$0x3FD2] =	sst s25  }
0xaa: {  	s8 =	sshll.u32 s26, $0x1;
	_ =	strace $0x80000046;
	[dreg:$0x1] =	wrdreg $0xFFFFFFFF  }
0xab: {  	s28 =	simm.s32 $_size_execute0_lowered;
	s7 =	sadd.s32 s7, s8;
	[dreg:$0x0] =	wrdreg $0x0  }
0xac: {  	s8 =	sshll.u32 s28, $0x1;
	[dreg:$0x2] =	wrdreg s7  }
0xad: {  	[dreg:$0x3] =	wrdreg s8  }
0xae: {  	[dreg:$0x4] =	wrdreg $0xC0  }
0xaf: {  	_ =	task [dreg:s11], $0x5FFFF  }
0xb0: {  	[dreg:$0x1] =	wrdreg $0xFFFFFFFF  }
0xb1: {  	[dreg:$0x0] =	wrdreg $0x60  }
0xb2: {  	[dreg:$0x2] =	wrdreg s2  }
0xb3: {  	[dreg:$0x3] =	wrdreg s19  }
0xb4: {  	[dreg:$0x4] =	wrdreg s4  }
0xb5: {  	[dreg:$0x5] =	wrdreg s5  }
0xb6: {  	[dreg:$0x6] =	wrdreg s6  }
0xb7: {  	[dreg:$0x7] =	wrdreg $0x9  }
0xb8: {  	_ =	task.clear_ibuf [dreg:s11], $0x8FFFF;
	_ =	strace $0x90000046  }
0xb9: {  	s29 =	simm.s32 $0x9;
	_ =	strace $0x80000048  }
0xba: {  	_ =	swait.ge [sflag:s29], $0x1  }
0xbb: {  	[sflag:s29] =	ssyncadd.s32 $0xFFFFFFFF  }
0xbc: {  	_ =	strace $0x90000048  }
0xbd: {  	_ =	sfence  }
0xbe: {  	s30 =	sld [smem:$0x0];
	_ =	sdelay $0x2  }
0xbf: {  	s31 =	sshll.u32 s1, $0xD;
	s1 =	sshrl.u32 s1, $0x2  }
0xc0: {  	s3 =	sand.u32 $0x4000, s31;
	s1 =	sadd.s32 s1, s30  }
0xc1: {  	s0 =	sor.u32 s3, s0;
	s1 =	sshll.u32 s1, $0x11  }
0xc2: {  	s0 =	sor.u32 s1, s0  }
0xc3: {  	s0 =	sadd.s32 $0x8F2B, s0  }
0xc4: {  	[sflag:s0] =	ssyncadd.remote.s32 $0x1  }
0xc5: {  	_ =	sfence.sel $0xFFFF  }
0xc6: {  	[dreg:$0x0] =	wrdreg $0xFFFFFFFF;
	(pc) =	sbr.abs _section_cstart, $3  }
0xc7: {  	[dreg:$0x1] =	wrdreg $0xFFFFFFFF  }
0xc8: {  	_ =	task.clear_ibuf [dreg:s11], $0x2FFFF;
	_ =	strace $0x9FFFFFFF  }
0xc9: {  	(tm) =	ssettm $0x7FFFFFFF  }
tec
execute0_lowered:
.L_overlay_start_1:
0x0: {  	(tag) =	ssettag $0x1  }
0x1: {  	s5 =	rddreg [dreg:$0x0]  }
0x2: {  	s6 =	rddreg [dreg:$0x1]  }
0x3: {  	s1 =	rddreg [dreg:$0x2]  }
0x4: {  	s2 =	rddreg [dreg:$0x3]  }
0x5: {  	s7 =	rddreg [dreg:$0x4]  }
0x6: {  	s0 =	rddreg [dreg:$0x5];
	s8 =	srdreg.scid  }
0x7: {  	s4 =	simm.s32 $0x0;
	s3 =	stileid.u32;
	s12 =	simm.s32 $0x40  }
0x8: {  	s13 =	simm.s32 $0x400;
	s14 =	simm.s32 $0x4400;
	s15 =	simm.s32 $0x2400  }
0x9: {  	v0 =	vlaneseq.u32;
	s16 =	simm.s32 $0x240;
	s17 =	simm.s32 $0x6400;
	s18 =	simm.s32 $0x8400  }
0xa: {  	s19 =	simm.s32 $0x5;
	s20 =	simm.s32 $0x0;
	s8 =	sand.u32 $0x1, s8;
	v1 =	vmul.u32 $0x80, v0  }
0xb: {  	s10 =	sshll.u32 s3, $0x7;
	[smem:$0x7FF] =	sst s4;
	v2 =	vadd.s32 $0x1, v0;
	v3 =	vadd.s32 $0x2, v0;
	v4 =	vadd.s32 $0x3, v0;
	s9 =	ssub.s32 $0x2, s8  }
0xc: {  	v5 =	vadd.s32 $0x4, v0;
	v6 =	vadd.s32 $0x5, v0;
	v7 =	vadd.s32 $0x6, v0;
	s8 =	sshll.u32 s8, $0x6;
	_ =	strace $0x80000047;
	s11 =	sshrl.u32 s9, $0x1  }
0xd: {  	v8 =	vadd.s32 $0x7, v0;
	v9 =	vadd.s32 $0x8, v0;
	v10 =	vadd.s32 $0x9, v0;
	s8 =	sor.u32 s8, s10;
	s10 =	simm.s32 $0x1;
	s9 =	ssub.s32 s9, s11  }
0xe: {  	v11 =	vadd.s32 $0xA, v0;
	v12 =	vadd.s32 $0xB, v0;
	v13 =	vadd.s32 $0xC, v0;
	s5 =	sadd.s32 s5, s8;
	s6 =	sadd.s32 s6, s8;
	s7 =	sadd.s32 s7, s8  }
0xf: {  	v14 =	vadd.s32 $0xD, v0;
	v15 =	vadd.s32 $0xE, v0;
	v16 =	vadd.s32 $0xF, v0;
	s11 =	simm.s32 $0x3;
	s8 =	smax.u32 s9, $0x1;
	s9 =	simm.s32 $0x200  }
.LBB2_1:
0x10: {  	[tilespmem:s4], [sflag:$0x1] =	stream.linear.gather [hbm4b:s5+s4], $0x200, $0x38;
	[tilespmem:$0x8600] =	vst v63  }
0x11: {  	_ = 	snop  }
0x12: {  	[tilespmem:s9], [sflag:$0x3] =	stream.linear.gather [hbm4b:s6+s4], $0x200, $0x38;
	[tilespmem:$0x8600] =	vst v63  }
0x13: {  	_ =	swait.ge [sflag:s10], $0x200  }
0x14: {  	[sflag:s10] =	ssyncset.done $0x0  }
0x15: {  	[sflag:s10] =	ssyncadd.s32 $0xFFFFFE00  }
0x16: {  	_ =	swait.ge [sflag:s11], $0x200  }
0x17: {  	[sflag:s11] =	ssyncset.done $0x0  }
0x18: {  	[sflag:s11] =	ssyncadd.s32 $0xFFFFFE00  }
0x19: {  	[tilespmem:s13], [sflag:$0x1] =	stream.indirect.gather [hbm4b:s1+s12], $0x80, s4, s12, $0xb8;
	[tilespmem:$0x8600] =	vst v63  }
0x1a: {  	_ = 	snop  }
0x1b: {  	[tilespmem:s14], [sflag:$0x3] =	stream.indirect.gather [hbm4b:s2+s12], $0x80, s9, s12, $0xb8;
	[tilespmem:$0x8600] =	vst v63  }
0x1c: {  	_ = 	snop  }
0x1d: {  	[tilespmem:s15], [sflag:$0x2] =	stream.indirect.gather [hbm4b:s1+s12], $0x80, s12, s12, $0xb8;
	[tilespmem:$0x8600] =	vst v63  }
0x1e: {  	s21 =	simm.s32 $0x0  }
0x1f: {  	[tilespmem:s17], [sflag:$0x4] =	stream.indirect.gather [hbm4b:s2+s12], $0x80, s16, s12, $0xb8;
	[tilespmem:$0x8600] =	vst v63  }
.LBB2_2:
0x20: {  	s22 =	sand.u32 $0x1, s21  }
0x21: {  	p0 =	seq.s32 s22, $0x1  }
0x22: {  	s23 =	simm.s32 @!p0 $0x1  }
0x23: {  	_ =	swait.ge @!p0 [sflag:s23], $0x2000  }
0x24: {  	[sflag:s23] =	ssyncset.done @!p0 $0x0  }
0x25: {  	[sflag:s23] =	ssyncadd.s32 @!p0 $0xFFFFE000;
	s23 =	simm.s32 @!p0 $0x3  }
0x26: {  	_ =	swait.ge @!p0 [sflag:s23], $0x2000  }
0x27: {  	p1 =	seq.s32 s22, $0x0;
	[sflag:s23] =	ssyncset.done @!p0 $0x0  }
0x28: {  	[sflag:s23] =	ssyncadd.s32 @!p0 $0xFFFFE000;
	s23 =	simm.s32 @!p1 $0x2  }
0x29: {  	_ =	swait.ge @!p1 [sflag:s23], $0x2000  }
0x2a: {  	s31 =	sshll.u32 s21, $0x6;
	[sflag:s23] =	ssyncset.done @!p1 $0x0  }
0x2b: {  	s25 =	sand.u32 $0x3FFFFFC0, s31;
	s24 =	simm.s32 @!p1 $0x4;
	[sflag:s23] =	ssyncadd.s32 @!p1 $0xFFFFE000  }
0x2c: {  	s25 =	sadd.s32 $0x8400, s25;
	_ =	swait.ge @!p1 [sflag:s24], $0x2000  }
0x2d: {  	v17 =	vmov s25;
	s25 =	simm.s32 $0x0;
	[sflag:s24] =	ssyncset.done @!p1 $0x0  }
0x2e: {  	s23 =	sshll.u32 s22, $0x6;
	[sflag:s24] =	ssyncadd.s32 @!p1 $0xFFFFE000;
	s24 =	simm.s32 $0x0  }
.LBB2_3:
0x2f: {  	s26 =	sshll.u32 s25, $0x4  }
0x30: {  	s28 =	sadd.s32 s23, s26  }
0x31: {  	v18 =	vmov s28  }
0x32: {  	v21 =	vadd.s32 s24, v2;
	v18 =	vshll.u32 v18, $0x7  }
0x33: {  	v21 =	vand.u32 $0x7F, v21;
	v18 =	vor.u32 v1, v18  }
0x34: {  	v19 =	vor.u32 v0, v18;
	v21 =	vor.u32 v18, v21  }
0x35: {  	v20 =	vor.u32 s24, v19  }
0x36: {  	v22 =	vadd.s32 s24, v3  }
0x37: {  	v22 =	vand.u32 $0x7F, v22  }
0x38: {  	v23 =	vadd.s32 s24, v4;
	v22 =	vor.u32 v18, v22  }
0x39: {  	v23 =	vand.u32 $0x7F, v23;
	v26 =	vld.idx.msk [tilespmem:v21+s13+$0x0], $0xffff  }
0x3a: {  	v25 =	vadd.s32 s24, v5;
	v23 =	vor.u32 v18, v23;
	v24 =	vld.idx.msk [tilespmem:v20+s13+$0x0], $0xffff  }
0x3b: {  	v25 =	vand.u32 $0x7F, v25;
	v20 =	vld.idx.msk [tilespmem:v20+s14+$0x0], $0xffff  }
0x3c: {  	v27 =	vadd.s32 s24, v6;
	v25 =	vor.u32 v18, v25;
	v21 =	vld.idx.msk [tilespmem:v21+s14+$0x0], $0xffff  }
0x3d: {  	v27 =	vand.u32 $0x7F, v27;
	v28 =	vld.idx.msk [tilespmem:v22+s13+$0x0], $0xffff  }
0x3e: {  	v29 =	vadd.s32 s24, v7;
	v27 =	vor.u32 v18, v27;
	v22 =	vld.idx.msk [tilespmem:v22+s14+$0x0], $0xffff  }
0x3f: {  	v29 =	vand.u32 $0x7F, v29;
	v30 =	vld.idx.msk [tilespmem:v23+s13+$0x0], $0xffff  }
0x40: {  	v31 =	vadd.s32 s24, v8;
	v23 =	vld.idx.msk [tilespmem:v23+s14+$0x0], $0xffff;
	v20 =	vmul.f32 v20, v24;
	v24 =	vor.u32 v18, v29  }
0x41: {  	v33 =	vadd.s32 s24, v9;
	v31 =	vand.u32 $0x7F, v31;
	v32 =	vld.idx.msk [tilespmem:v25+s13+$0x0], $0xffff;
	v29 =	vimm.f32 $0.0e+00  }
0x42: {  	v25 =	vld.idx.msk [tilespmem:v25+s14+$0x0], $0xffff;
	v21 =	vmul.f32 v21, v26;
	v26 =	vor.u32 v18, v31;
	v20 =	vadd.f32 v20, v29  }
0x43: {  	v55 =	vadd.s32 s24, v10;
	v31 =	vand.u32 $0x7F, v33;
	v29 =	vld.idx.msk [tilespmem:v27+s13+$0x0], $0xffff  }
0x44: {  	v20 =	vadd.f32 v21, v20;
	v21 =	vmul.f32 v22, v28;
	v22 =	vld.idx.msk [tilespmem:v27+s14+$0x0], $0xffff;
	v27 =	vor.u32 v18, v31  }
0x45: {  	v56 =	vadd.s32 s24, v11;
	v31 =	vand.u32 $0x7F, v55;
	v28 =	vld.idx.msk [tilespmem:v24+s13+$0x0], $0xffff  }
0x46: {  	v20 =	vadd.f32 v21, v20;
	v21 =	vmul.f32 v23, v30;
	v23 =	vld.idx.msk [tilespmem:v24+s14+$0x0], $0xffff;
	v24 =	vor.u32 v18, v31  }
0x47: {  	v57 =	vadd.s32 s24, v12;
	v30 =	vld.idx.msk [tilespmem:v26+s13+$0x0], $0xffff;
	v31 =	vand.u32 $0x7F, v56  }
0x48: {  	v20 =	vadd.f32 v21, v20;
	v21 =	vmul.f32 v25, v32;
	v25 =	vld.idx.msk [tilespmem:v26+s14+$0x0], $0xffff;
	v26 =	vor.u32 v18, v31  }
0x49: {  	v59 =	vadd.s32 s24, v13;
	v58 =	vand.u32 $0x7F, v57;
	v31 =	vld.idx.msk [tilespmem:v27+s13+$0x0], $0xffff  }
0x4a: {  	v20 =	vadd.f32 v21, v20;
	v21 =	vmul.f32 v22, v29;
	v22 =	vld.idx.msk [tilespmem:v27+s14+$0x0], $0xffff;
	v27 =	vor.u32 v18, v58  }
0x4b: {  	v61 =	vadd.s32 s24, v14;
	v60 =	vand.u32 $0x7F, v59;
	v29 =	vld.idx.msk [tilespmem:v24+s13+$0x0], $0xffff  }
0x4c: {  	v20 =	vadd.f32 v21, v20;
	v21 =	vmul.f32 v23, v28;
	v23 =	vld.idx.msk [tilespmem:v24+s14+$0x0], $0xffff;
	v24 =	vor.u32 v18, v60  }
0x4d: {  	v63 =	vadd.s32 s24, v15;
	v28 =	vand.u32 $0x7F, v61;
	v62 =	vld.idx.msk [tilespmem:v26+s13+$0x0], $0xffff  }
0x4e: {  	v25 =	vmul.f32 v25, v30;
	v34 =	vld.idx.msk [tilespmem:v26+s14+$0x0], $0xffff;
	v35 =	vor.u32 v18, v28;
	v21 =	vadd.f32 v21, v20  }
0x4f: {  	v26 =	vand.u32 $0x7F, v63;
	v20 =	vld.idx.msk [tilespmem:v27+s13+$0x0], $0xffff;
	v30 =	vmul.f32 v22, v31  }
0x50: {  	v28 =	vld.idx.msk [tilespmem:v27+s14+$0x0], $0xffff;
	v21 =	vadd.f32 v25, v21;
	v25 =	vor.u32 v18, v26;
	v26 =	vadd.s32 s24, v16  }
0x51: {  	v22 =	vld.idx.msk [tilespmem:v24+s13+$0x0], $0xffff;
	v26 =	vand.u32 $0x7F, v26  }
0x52: {  	s28 =	simm.s32 $0x10;
	v27 =	vadd.f32 v30, v21;
	v30 =	vmul.f32 v23, v29;
	v29 =	vld.idx.msk [tilespmem:v24+s14+$0x0], $0xffff;
	v26 =	vor.u32 v18, v26  }
0x53: {  	v21 =	vld.idx.msk [tilespmem:v35+s13+$0x0], $0xffff;
	v23 =	vor.u32 s28, v19  }
0x54: {  	v24 =	vadd.s32 s28, v2;
	v32 =	vmul.f32 v34, v62;
	v30 =	vadd.f32 v30, v27;
	v27 =	vld.idx.msk [tilespmem:v35+s14+$0x0], $0xffff  }
0x55: {  	s29 =	simm.s32 $0x20;
	v31 =	vadd.s32 s28, v3;
	v33 =	vand.u32 $0x7F, v24;
	v24 =	vld.idx.msk [tilespmem:v25+s13+$0x0], $0xffff  }
.LBB2_4:
0x56: {  	p1 =	sne.s32 s29, $0x70;
	v33 =	vor.u32 v18, v33;
	v30 =	vadd.f32 v32, v30;
	v20 =	vmul.f32 v28, v20;
	v25 =	vld.idx.msk [tilespmem:v25+s14+$0x0], $0xffff  }
0x57: {  	v28 =	vand.u32 $0x7F, v31;
	v31 =	vadd.s32 s28, v4;
	v32 =	vld.idx.msk [tilespmem:v26+s13+$0x0], $0xffff  }
0x58: {  	v28 =	vor.u32 v18, v28;
	v22 =	vmul.f32 v29, v22;
	v20 =	vadd.f32 v20, v30;
	v26 =	vld.idx.msk [tilespmem:v26+s14+$0x0], $0xffff  }
0x59: {  	v30 =	vand.u32 $0x7F, v31;
	v31 =	vadd.s32 s28, v5;
	v29 =	vld.idx.msk [tilespmem:v23+s13+$0x0], $0xffff  }
0x5a: {  	v30 =	vor.u32 v18, v30;
	v21 =	vmul.f32 v27, v21;
	v23 =	vld.idx.msk [tilespmem:v23+s14+$0x0], $0xffff;
	v20 =	vadd.f32 v22, v20  }
0x5b: {  	v27 =	vand.u32 $0x7F, v31;
	v31 =	vadd.s32 s28, v6;
	v22 =	vld.idx.msk [tilespmem:v33+s13+$0x0], $0xffff  }
0x5c: {  	v27 =	vor.u32 v18, v27;
	v33 =	vld.idx.msk [tilespmem:v33+s14+$0x0], $0xffff;
	v20 =	vadd.f32 v21, v20;
	v21 =	vmul.f32 v25, v24  }
0x5d: {  	v25 =	vand.u32 $0x7F, v31;
	v31 =	vadd.s32 s28, v7;
	v24 =	vld.idx.msk [tilespmem:v28+s13+$0x0], $0xffff  }
0x5e: {  	v25 =	vor.u32 v18, v25;
	v28 =	vld.idx.msk [tilespmem:v28+s14+$0x0], $0xffff;
	v20 =	vadd.f32 v21, v20;
	v21 =	vmul.f32 v26, v32  }
0x5f: {  	v31 =	vand.u32 $0x7F, v31;
	v32 =	vadd.s32 s28, v8;
	v26 =	vld.idx.msk [tilespmem:v30+s13+$0x0], $0xffff  }
0x60: {  	v23 =	vmul.f32 v23, v29;
	v29 =	vld.idx.msk [tilespmem:v30+s14+$0x0], $0xffff;
	v30 =	vor.u32 v18, v31;
	v20 =	vadd.f32 v21, v20  }
0x61: {  	v31 =	vand.u32 $0x7F, v32;
	v32 =	vadd.s32 s28, v9;
	v21 =	vld.idx.msk [tilespmem:v27+s13+$0x0], $0xffff  }
0x62: {  	v22 =	vmul.f32 v33, v22;
	v20 =	vadd.f32 v23, v20;
	v23 =	vld.idx.msk [tilespmem:v27+s14+$0x0], $0xffff;
	v27 =	vor.u32 v18, v31  }
0x63: {  	v32 =	vand.u32 $0x7F, v32;
	v33 =	vadd.s32 s28, v10;
	v31 =	vld.idx.msk [tilespmem:v25+s13+$0x0], $0xffff  }
0x64: {  	v20 =	vadd.f32 v22, v20;
	v22 =	vmul.f32 v28, v24;
	v24 =	vld.idx.msk [tilespmem:v25+s14+$0x0], $0xffff;
	v25 =	vor.u32 v18, v32  }
0x65: {  	v32 =	vand.u32 $0x7F, v33;
	v33 =	vadd.s32 s28, v11;
	v28 =	vld.idx.msk [tilespmem:v30+s13+$0x0], $0xffff  }
0x66: {  	v20 =	vadd.f32 v22, v20;
	v22 =	vmul.f32 v29, v26;
	v26 =	vld.idx.msk [tilespmem:v30+s14+$0x0], $0xffff;
	v29 =	vor.u32 v18, v32  }
0x67: {  	v32 =	vand.u32 $0x7F, v33;
	v33 =	vadd.s32 s28, v12;
	v30 =	vld.idx.msk [tilespmem:v27+s13+$0x0], $0xffff  }
0x68: {  	v21 =	vmul.f32 v23, v21;
	v23 =	vor.u32 v18, v32;
	v20 =	vadd.f32 v22, v20;
	v22 =	vld.idx.msk [tilespmem:v27+s14+$0x0], $0xffff  }
0x69: {  	v32 =	vand.u32 $0x7F, v33;
	v33 =	vadd.s32 s28, v13;
	v27 =	vld.idx.msk [tilespmem:v25+s13+$0x0], $0xffff  }
0x6a: {  	v20 =	vadd.f32 v21, v20;
	v21 =	vmul.f32 v24, v31;
	v24 =	vld.idx.msk [tilespmem:v25+s14+$0x0], $0xffff;
	v25 =	vor.u32 v18, v32  }
0x6b: {  	v32 =	vand.u32 $0x7F, v33;
	v33 =	vadd.s32 s28, v14;
	v31 =	vld.idx.msk [tilespmem:v29+s13+$0x0], $0xffff  }
0x6c: {  	v20 =	vadd.f32 v21, v20;
	v21 =	vmul.f32 v26, v28;
	v26 =	vld.idx.msk [tilespmem:v29+s14+$0x0], $0xffff;
	v29 =	vor.u32 v18, v32  }
0x6d: {  	v28 =	vand.u32 $0x7F, v33;
	v33 =	vadd.s32 s28, v15;
	v32 =	vld.idx.msk [tilespmem:v23+s13+$0x0], $0xffff  }
0x6e: {  	v22 =	vmul.f32 v22, v30;
	v35 =	vor.u32 v18, v28;
	v21 =	vadd.f32 v21, v20;
	v34 =	vld.idx.msk [tilespmem:v23+s14+$0x0], $0xffff  }
0x6f: {  	v30 =	vadd.s32 s28, v16;
	s28 =	smov.u32 s29;
	v23 =	vand.u32 $0x7F, v33;
	v20 =	vld.idx.msk [tilespmem:v25+s13+$0x0], $0xffff  }
0x70: {  	v24 =	vmul.f32 v24, v27;
	v21 =	vadd.f32 v22, v21;
	v28 =	vld.idx.msk [tilespmem:v25+s14+$0x0], $0xffff;
	v25 =	vor.u32 v18, v23  }
.Ltmp0:
0x71: {  	v23 =	vand.u32 $0x7F, v30;
	v22 =	vld.idx.msk [tilespmem:v29+s13+$0x0], $0xffff;
	(pc) =	sbr.rel @p1 .LBB2_4-.Ltmp0, $4  }
0x72: {  	v27 =	vmul.f32 v26, v31;
	v26 =	vor.u32 v18, v23;
	v24 =	vadd.f32 v24, v21;
	v29 =	vld.idx.msk [tilespmem:v29+s14+$0x0], $0xffff  }
0x73: {  	v23 =	vor.u32 s29, v19;
	v21 =	vld.idx.msk [tilespmem:v35+s13+$0x0], $0xffff  }
0x74: {  	v31 =	vadd.s32 s29, v2;
	v32 =	vmul.f32 v34, v32;
	v30 =	vadd.f32 v27, v24;
	v27 =	vld.idx.msk [tilespmem:v35+s14+$0x0], $0xffff  }
0x75: {  	s29 =	sadd.s32 $0x10, s29;
	v33 =	vand.u32 $0x7F, v31;
	v31 =	vadd.s32 s28, v3;
	v24 =	vld.idx.msk [tilespmem:v25+s13+$0x0], $0xffff  }
0x76: {  	_ =	sdelay $0x2  }
0x77: {  	v19 =	vadd.f32 v32, v30;
	v20 =	vmul.f32 v28, v20  }
0x78: {  	v43 =	vor.u32 v18, v33;
	v25 =	vld.idx.msk [tilespmem:v25+s14+$0x0], $0xffff  }
0x79: {  	v44 =	vand.u32 $0x7F, v31;
	v45 =	vld.idx.msk [tilespmem:v26+s13+$0x0], $0xffff;
	v46 =	vmul.f32 v29, v22;
	v19 =	vadd.f32 v20, v19  }
0x7a: {  	v47 =	vadd.s32 s28, v4;
	v49 =	vld.idx.msk [tilespmem:v26+s14+$0x0], $0xffff;
	v48 =	vor.u32 v18, v44  }
0x7b: {  	v50 =	vld.idx.msk [tilespmem:v23+s13+$0x0], $0xffff;
	v22 =	vand.u32 $0x7F, v47;
	v51 =	vmul.f32 v27, v21;
	v19 =	vadd.f32 v46, v19  }
0x7c: {  	v52 =	vadd.s32 s28, v5;
	v53 =	vld.idx.msk [tilespmem:v23+s14+$0x0], $0xffff;
	v22 =	vor.u32 v18, v22  }
0x7d: {  	v21 =	vand.u32 $0x7F, v52;
	v54 =	vld.idx.msk [tilespmem:v43+s13+$0x0], $0xffff;
	v55 =	vmul.f32 v25, v24;
	v19 =	vadd.f32 v51, v19  }
0x7e: {  	v56 =	vadd.s32 s28, v6;
	v21 =	vor.u32 v18, v21;
	v57 =	vld.idx.msk [tilespmem:v43+s14+$0x0], $0xffff  }
0x7f: {  	v24 =	vand.u32 $0x7F, v56;
	v59 =	vmul.f32 v49, v45;
	v58 =	vld.idx.msk [tilespmem:v48+s13+$0x0], $0xffff;
	v19 =	vadd.f32 v55, v19  }
0x80: {  	v60 =	vadd.s32 s28, v7;
	v29 =	vld.idx.msk [tilespmem:v48+s14+$0x0], $0xffff;
	v24 =	vor.u32 v18, v24  }
0x81: {  	v26 =	vand.u32 $0x7F, v60;
	v23 =	vmul.f32 v53, v50;
	v61 =	vld.idx.msk [tilespmem:v22+s13+$0x0], $0xffff;
	v19 =	vadd.f32 v59, v19  }
0x82: {  	v62 =	vadd.s32 s28, v8;
	v26 =	vor.u32 v18, v26;
	v22 =	vld.idx.msk [tilespmem:v22+s14+$0x0], $0xffff  }
0x83: {  	v20 =	vand.u32 $0x7F, v62;
	v63 =	vld.idx.msk [tilespmem:v21+s13+$0x0], $0xffff;
	v33 =	vmul.f32 v57, v54;
	v19 =	vadd.f32 v23, v19  }
0x84: {  	v34 =	vadd.s32 s28, v9;
	v20 =	vor.u32 v18, v20;
	v21 =	vld.idx.msk [tilespmem:v21+s14+$0x0], $0xffff  }
0x85: {  	v25 =	vand.u32 $0x7F, v34;
	v35 =	vld.idx.msk [tilespmem:v24+s13+$0x0], $0xffff;
	v36 =	vmul.f32 v29, v58;
	v19 =	vadd.f32 v33, v19  }
0x86: {  	v37 =	vadd.s32 s28, v10;
	v25 =	vor.u32 v18, v25;
	v24 =	vld.idx.msk [tilespmem:v24+s14+$0x0], $0xffff  }
0x87: {  	v28 =	vand.u32 $0x7F, v37;
	v38 =	vld.idx.msk [tilespmem:v26+s13+$0x0], $0xffff;
	v22 =	vmul.f32 v22, v61;
	v19 =	vadd.f32 v36, v19  }
0x88: {  	v39 =	vadd.s32 s28, v11;
	v28 =	vor.u32 v18, v28;
	v26 =	vld.idx.msk [tilespmem:v26+s14+$0x0], $0xffff  }
0x89: {  	v40 =	vld.idx.msk [tilespmem:v20+s13+$0x0], $0xffff;
	v23 =	vand.u32 $0x7F, v39;
	v21 =	vmul.f32 v21, v63;
	v19 =	vadd.f32 v22, v19  }
0x8a: {  	v41 =	vadd.s32 s28, v12;
	v20 =	vld.idx.msk [tilespmem:v20+s14+$0x0], $0xffff;
	v23 =	vor.u32 v18, v23  }
0x8b: {  	v42 =	vld.idx.msk [tilespmem:v25+s13+$0x0], $0xffff;
	v43 =	vmul.f32 v24, v35;
	v22 =	vand.u32 $0x7F, v41;
	v19 =	vadd.f32 v21, v19  }
0x8c: {  	v44 =	vadd.s32 s28, v13;
	v25 =	vld.idx.msk [tilespmem:v25+s14+$0x0], $0xffff;
	v22 =	vor.u32 v18, v22  }
0x8d: {  	v45 =	vld.idx.msk [tilespmem:v28+s13+$0x0], $0xffff;
	v46 =	vmul.f32 v26, v38;
	v24 =	vand.u32 $0x7F, v44;
	v19 =	vadd.f32 v43, v19  }
0x8e: {  	v47 =	vadd.s32 s28, v14;
	v28 =	vld.idx.msk [tilespmem:v28+s14+$0x0], $0xffff;
	v24 =	vor.u32 v18, v24  }
0x8f: {  	v26 =	vand.u32 $0x7F, v47;
	v20 =	vmul.f32 v20, v40;
	v48 =	vld.idx.msk [tilespmem:v23+s13+$0x0], $0xffff;
	v19 =	vadd.f32 v46, v19  }
0x90: {  	v49 =	vadd.s32 s28, v15;
	v26 =	vor.u32 v18, v26;
	v23 =	vld.idx.msk [tilespmem:v23+s14+$0x0], $0xffff  }
0x91: {  	v51 =	vmul.f32 v25, v42;
	v21 =	vand.u32 $0x7F, v49;
	v50 =	vld.idx.msk [tilespmem:v22+s13+$0x0], $0xffff;
	v19 =	vadd.f32 v20, v19  }
0x92: {  	v52 =	vadd.s32 s28, v16;
	v21 =	vor.u32 v18, v21;
	v22 =	vld.idx.msk [tilespmem:v22+s14+$0x0], $0xffff  }
0x93: {  	v54 =	vmul.f32 v28, v45;
	v25 =	vand.u32 $0x7F, v52;
	v53 =	vld.idx.msk [tilespmem:v24+s13+$0x0], $0xffff;
	v19 =	vadd.f32 v51, v19  }
0x94: {  	v18 =	vor.u32 v18, v25;
	v24 =	vld.idx.msk [tilespmem:v24+s14+$0x0], $0xffff  }
0x95: {  	v55 =	vld.idx.msk [tilespmem:v26+s13+$0x0], $0xffff;
	v56 =	vmul.f32 v23, v48;
	v19 =	vadd.f32 v54, v19  }
0x96: {  	v57 =	vld.idx.msk [tilespmem:v26+s14+$0x0], $0xffff  }
0x97: {  	v58 =	vld.idx.msk [tilespmem:v21+s13+$0x0], $0xffff;
	v59 =	vmul.f32 v22, v50;
	v19 =	vadd.f32 v56, v19  }
0x98: {  	v21 =	vld.idx.msk [tilespmem:v21+s14+$0x0], $0xffff  }
0x99: {  	v60 =	vld.idx.msk [tilespmem:v18+s13+$0x0], $0xffff;
	v61 =	vmul.f32 v24, v53;
	v19 =	vadd.f32 v59, v19  }
0x9a: {  	v18 =	vld.idx.msk [tilespmem:v18+s14+$0x0], $0xffff  }
0x9b: {  	v62 =	vmul.f32 v57, v55;
	v19 =	vadd.f32 v61, v19;
	_ =	sdelay $0x1  }
0x9c: {  	s25 =	sadd.s32 $0x1, s25;
	v63 =	vmul.f32 v21, v58;
	v19 =	vadd.f32 v62, v19  }
0x9d: {  	p1 =	sne.s32 s25, $0x4  }
.Ltmp1:
0x9e: {  	v18 =	vmul.f32 v18, v60;
	v19 =	vadd.f32 v63, v19;
	(pc) =	sbr.rel @p1 .LBB2_3-.Ltmp1, $3  }
0x9f: {  	_ = 	snop  }
0xa0: {  	v18 =	vadd.f32 v18, v19;
	_ =	sdelay $0x1  }
0xa1: {  	[tilespmem:v17+s26+$0x0 ss:$0x1] =	vst.idx.msk $0xffff, v18  }
0xa2: {  	p1 =	sgt.u32 s21, $0x5  }
0xa3: {  	p2 =	sne.s32 @!p1 s22, $0x0  }
0xa4: {  	p0 =	por !p0, !p0;
	s22 =	sadd.s32 $0x2, s21;
	p2 =	por p2, p1  }
0xa5: {  	s23 =	sshll.u32 @!p2 s22, $0x6;
	s24 =	simm.s32 @!p2 $0x40;
	s25 =	simm.s32 @!p2 $0x400  }
0xa6: {  	[tilespmem:s25], [sflag:$0x1] =	stream.indirect.gather @!p2 [hbm4b:s1+s24], $0x80, s23, s24, $0xb8;
	[tilespmem:$0x8600] =	vst v63  }
0xa7: {  	p0 =	por p1, p0;
	s23 =	sadd.s32 @!p2 $0x200, s23;
	s25 =	simm.s32 @!p2 $0x4400  }
0xa8: {  	[tilespmem:s25], [sflag:$0x3] =	stream.indirect.gather @!p2 [hbm4b:s2+s24], $0x80, s23, s24, $0xb8;
	[tilespmem:$0x8600] =	vst v63  }
0xa9: {  	s22 =	sshll.u32 @!p0 s22, $0x6;
	s23 =	simm.s32 @!p0 $0x40;
	s24 =	simm.s32 @!p0 $0x2400  }
0xaa: {  	[tilespmem:s24], [sflag:$0x2] =	stream.indirect.gather @!p0 [hbm4b:s1+s23], $0x80, s22, s23, $0xb8;
	[tilespmem:$0x8600] =	vst v63  }
0xab: {  	s21 =	sadd.s32 $0x1, s21;
	s22 =	sadd.s32 @!p0 $0x200, s22;
	s24 =	simm.s32 @!p0 $0x6400  }
0xac: {  	[tilespmem:s24], [sflag:$0x4] =	stream.indirect.gather @!p0 [hbm4b:s2+s23], $0x80, s22, s23, $0xb8;
	[tilespmem:$0x8600] =	vst v63  }
0xad: {  	p0 =	sne.s32 s21, $0x8  }
.Ltmp2:
0xae: {  	_ = 	snop;
	(pc) =	sbr.rel @p0 .LBB2_2-.Ltmp2, $1  }
0xaf: {  	_ =	sdelay $0x3  }
0xb0: {  	s20 =	sadd.s32 $0x1, s20  }
0xb1: {  	p0 =	sne.s32 s20, s8  }
.Ltmp3:
0xb2: {  	_ = 	snop;
	(pc) =	sbr.rel @p0 .LBB2_1-.Ltmp3, $4  }
0xb3: {  	[hbm4b:s7+s4] =	stream.linear.scatter [tilespmem:s18], [sflag:$0x5], $0x200, $0x38;
	[tilespmem:$0x8600] =	vst v63  }
0xb4: {  	_ =	swait.ge [sflag:s19], $0x200  }
0xb5: {  	[sflag:s19] =	ssyncset.done $0x0  }
0xb6: {  	[sflag:s19] =	ssyncadd.s32 $0xFFFFFE00  }
0xb7: {  	_ =	sfence.sel $0x180000  }
0xb8: {  	[bflag:$0x0] =	sbarrier.arrive $0xFFFF  }
0xb9: {  	p0 =	sne.s32 s3, $0x0;
	_ =	strace $0x90000047  }
0xba: {  	s0 =	sadd.s32 @!p0 $0x100000, s0;
	[bflag:$0x2] =	sbarrier.arrive $0xFFFF  }
0xbb: {  	[sflag:s0] =	ssyncadd.tile.s32 @!p0 $0x1;
	_ =	shalt  }
.Lfunc_end2:
_tile_overlayer_lowered:
.L_overlay_start_2:
0xbc: {  	(tag) =	ssettag $0x2  }
0xbd: {  	s0 =	rddreg [dreg:$0x0];
	s2 =	stileid.u32  }
0xbe: {  	s1 =	rddreg [dreg:$0x1];
	p0 =	sne.s32 s2, $0x0  }
0xbf: {  	s3 =	rddreg [dreg:$0x2];
	[bflag:$0x3] =	sbarrier.arrive $0xFFFF;
	s2 =	simm.s32 @!p0 $0x1C05  }
0xc0: {  	[timem:s3], [sflag:s2] =	dma.local @!p0 [hbm:s0], s1  }
0xc1: {  	s0 =	simm.s32 @!p0 $0x5  }
0xc2: {  	_ =	swait.ge @!p0 [sflag:s0], s1  }
0xc3: {  	s1 =	ssub.s32 @!p0 $0x0, s1;
	[sflag:s0] =	ssyncset.done @!p0 $0x0  }
0xc4: {  	[sflag:s0] =	ssyncadd.s32 @!p0 s1  }
0xc5: {  	[bflag:$0x3] =	sbarrier.arrive $0xFFFF  }
0xc6: {  	_ =	shalt  }

</sc_bundles>
